<compile_context>
chip_gen: v7x
topology: tpu7x:2x2x1
jax: 0.10.2.dev20260603
libtpu: 0.0.44.dev20260713+nightly
codegen_flags: <defaults>
</compile_context>

<pallas_src>
import functools

import jax
import jax.numpy as jnp
from jax import lax
from jax.experimental import pallas as pl
from jax.experimental.pallas import tpu as pltpu
from jax.experimental.pallas import tpu_sc as plsc

B = 1024
CTRL = 1024
D = 128
M = 100000
K = 8
MBLK = 2048
NB = (M + MBLK - 1) // MBLK
NEG = -3.0e38


BIGI = 2**30


def _extract_topk(vals, idxs, nrounds):
    tv, ti = [], []
    cur = vals
    for _ in range(nrounds):
        m = jnp.max(cur, axis=1, keepdims=True)
        hit = cur >= m
        ii = jnp.min(jnp.where(hit, idxs, BIGI), axis=1, keepdims=True)
        cur = jnp.where(idxs == ii, NEG, cur)
        tv.append(m)
        ti.append(ii)
    return jnp.concatenate(tv, axis=1), jnp.concatenate(ti, axis=1)


def _simstopk_body(x_ref, wq_ref, bq_ref, k_ref, iw_ref, idx_ref,
                   qn_ref, accv_ref, acci_ref):
    j = pl.program_id(0)
    nb = pl.num_programs(0)

    @pl.when(j == 0)
    def _():
        q = jnp.dot(x_ref[...], wq_ref[...],
                    preferred_element_type=jnp.float32) + bq_ref[...]
        n = jnp.sqrt(jnp.sum(q * q, axis=1, keepdims=True))
        qn_ref[...] = q / jnp.maximum(n, 1e-12)
        accv_ref[...] = jnp.full((B, K), NEG, jnp.float32)
        acci_ref[...] = jnp.full((B, K), -1, jnp.int32)

    kblk = k_ref[...]
    ss = jnp.sum(kblk * kblk, axis=1, keepdims=True)
    kn = kblk / jnp.maximum(jnp.sqrt(ss), 1e-12)
    s = lax.dot_general(qn_ref[...], kn, (((1,), (1,)), ((), ())),
                        preferred_element_type=jnp.float32)
    s = s * iw_ref[0]
    gcol = j * MBLK + lax.broadcasted_iota(jnp.int32, (B, MBLK), 1)
    s = jnp.where(gcol < M, s, NEG)

    tile_v, tile_i = _extract_topk(s, gcol, K)
    cand_v = jnp.concatenate([accv_ref[...], tile_v], axis=1)
    cand_i = jnp.concatenate([acci_ref[...], tile_i], axis=1)
    new_v, new_i = _extract_topk(cand_v, cand_i, K)
    accv_ref[...] = new_v
    acci_ref[...] = new_i

    @pl.when(j == nb - 1)
    def _():
        idx_ref[...] = new_i


def _simstopk(query_input, Wq, bq2, memory_keys, iw3):
    return pl.pallas_call(
        _simstopk_body,
        grid=(NB,),
        in_specs=[
            pl.BlockSpec((B, CTRL), lambda j: (0, 0)),
            pl.BlockSpec((CTRL, D), lambda j: (0, 0)),
            pl.BlockSpec((1, D), lambda j: (0, 0)),
            pl.BlockSpec((MBLK, D), lambda j: (j, 0)),
            pl.BlockSpec((1, 1, MBLK), lambda j: (j, 0, 0)),
        ],
        out_specs=pl.BlockSpec((B, K), lambda j: (0, 0)),
        out_shape=jax.ShapeDtypeStruct((B, K), jnp.int32),
        scratch_shapes=[
            pltpu.VMEM((B, D), jnp.float32),
            pltpu.VMEM((B, K), jnp.float32),
            pltpu.VMEM((B, K), jnp.int32),
        ],
        compiler_params=pltpu.CompilerParams(
            dimension_semantics=("arbitrary",)),
    )(query_input, Wq, bq2, memory_keys, iw3)


def _sc_gather(memory_values, idx_flat):
    info = plsc.get_sparse_core_info()
    nw = info.num_cores * info.num_subcores
    n_idx = B * K
    b_per_w = n_idx // nw
    ch = min(128, b_per_w)
    nch = b_per_w // ch
    mesh = plsc.VectorSubcoreMesh(core_axis_name="c", subcore_axis_name="s")

    @functools.partial(
        pl.kernel,
        mesh=mesh,
        out_type=jax.ShapeDtypeStruct((n_idx, D), jnp.float32),
        scratch_types=[
            pltpu.VMEM((ch,), jnp.int32),
            pltpu.VMEM((ch, D), jnp.float32),
            pltpu.SemaphoreType.DMA,
        ],
    )
    def _gather(table_hbm, idx_hbm, out_hbm, idx_v, rows_v, sem):
        wid = lax.axis_index("s") * info.num_cores + lax.axis_index("c")
        base = wid * b_per_w
        for c in range(nch):
            off = base + c * ch
            pltpu.sync_copy(idx_hbm.at[pl.ds(off, ch)], idx_v)
            pltpu.async_copy(table_hbm.at[idx_v], rows_v, sem).wait()
            pltpu.sync_copy(rows_v, out_hbm.at[pl.ds(off, ch)])

    return _gather(memory_values, idx_flat)


def _attn_body(r_ref, wa_ref, ba_ref, msk_ref, wc_ref, bc_ref, o_ref):
    r = r_ref[...]
    wa = wa_ref[...]
    logits = jnp.sum(r * wa[None, :, :], axis=2)
    logits = logits + ba_ref[...] + msk_ref[...]
    mx = jnp.max(logits, axis=1, keepdims=True)
    e = jnp.exp(logits - mx)
    attn = e / jnp.sum(e, axis=1, keepdims=True)
    comb = jnp.sum(r * attn[:, :, None], axis=1)
    o_ref[...] = jnp.dot(comb, wc_ref[...],
                         preferred_element_type=jnp.float32) + bc_ref[...]


def _attn(r, wa2, ba2, msk, Wc, bc2):
    bb = B // 4
    return pl.pallas_call(
        _attn_body,
        grid=(4,),
        in_specs=[
            pl.BlockSpec((bb, K, D), lambda i: (i, 0, 0)),
            pl.BlockSpec((1, D), lambda i: (0, 0)),
            pl.BlockSpec((1, 1), lambda i: (0, 0)),
            pl.BlockSpec((1, K), lambda i: (0, 0)),
            pl.BlockSpec((D, D), lambda i: (0, 0)),
            pl.BlockSpec((1, D), lambda i: (0, 0)),
        ],
        out_specs=pl.BlockSpec((bb, D), lambda i: (i, 0)),
        out_shape=jax.ShapeDtypeStruct((B, D), jnp.float32),
    )(r, wa2, ba2, msk, Wc, bc2)


def kernel(query_input, memory_keys, memory_values, importance_weights,
           Wq, bq, Wa, ba, Wc, bc, top_k):
    iw3 = jnp.pad(importance_weights, (0, NB * MBLK - M)).reshape(NB, 1, MBLK)
    top_idx = _simstopk(query_input, Wq, bq.reshape(1, D),
                        memory_keys, iw3)
    retrieved = _sc_gather(memory_values, top_idx.reshape(-1))
    r = retrieved.reshape(B, K, D)
    msk = jnp.where(jnp.arange(K) < top_k, 0.0, -1e30).astype(
        jnp.float32).reshape(1, K)
    return _attn(r, Wa.reshape(1, D), ba.reshape(1, 1), msk,
                 Wc, bc.reshape(1, D))

# --- scband reference (transcript-rebuilt; emitter-appended) ---
"""Pipeline reference for scband-memory-interface-25718264168586 (READ-ONLY COPY).

The authoritative reference and input builder live on the scoring server;
editing this copy changes nothing except your own understanding.
"""

import jax, jax.numpy as jnp
import numpy as np


def _l2_normalize(x, axis=-1, eps=1e-12):
    norm = jnp.linalg.norm(x, ord=2, axis=axis, keepdims=True)
    return x / jnp.maximum(norm, eps)


def setup_inputs(seed: int = 0) -> dict:
    key = jax.random.key(seed)
    ks = jax.random.split(key, 12)
    B = 1024
    controller_size = 1024
    memory_dim = 128
    M = 100000
    query_input = jax.random.normal(ks[0], (B, controller_size), dtype=jnp.float32)
    memory_keys = jax.random.normal(ks[1], (M, memory_dim), dtype=jnp.float32)
    memory_values = jax.random.normal(ks[2], (M, memory_dim), dtype=jnp.float32)
    importance_weights = jax.random.uniform(ks[3], (M,), dtype=jnp.float32)
    s_q = 1.0 / np.sqrt(controller_size)
    s_d = 1.0 / np.sqrt(memory_dim)
    Wq = jax.random.uniform(ks[4], (controller_size, memory_dim), jnp.float32, -s_q, s_q)
    bq = jax.random.uniform(ks[5], (memory_dim,), jnp.float32, -s_q, s_q)
    Wa = jax.random.uniform(ks[6], (memory_dim, 1), jnp.float32, -s_d, s_d)
    ba = jax.random.uniform(ks[7], (1,), jnp.float32, -s_d, s_d)
    Wc = jax.random.uniform(ks[8], (memory_dim, memory_dim), jnp.float32, -s_d, s_d)
    bc = jax.random.uniform(ks[9], (memory_dim,), jnp.float32, -s_d, s_d)
    return {
        "query_input": query_input,
        "memory_keys": memory_keys,
        "memory_values": memory_values,
        "importance_weights": importance_weights,
        "Wq": Wq, "bq": bq, "Wa": Wa, "ba": ba, "Wc": Wc, "bc": bc,
        "top_k": 8,
    }


def reference(query_input, memory_keys, memory_values, importance_weights, Wq, bq, Wa, ba, Wc, bc, top_k):
    # query projection
    query = query_input @ Wq + bq                      # [B, d]
    # cosine similarities against every memory key, weighted by importance
    q_norm = _l2_normalize(query, axis=-1)
    k_norm = _l2_normalize(memory_keys, axis=-1)
    sims = q_norm @ k_norm.T                           # [B, M]
    sims = sims * importance_weights[None, :]          # [B, M]
    # top-k retrieval
    K = 8
    top_vals, top_idx = jax.lax.top_k(sims, K)         # [B, K]
    retrieved = jnp.take(memory_values, top_idx, axis=0)  # [B, K, d]
    # attention over retrieved memories
    attn_logits = (retrieved @ Wa + ba).squeeze(-1)    # [B, K]
    valid = jnp.arange(K) < top_k                      # [K]
    attn_logits = jnp.where(valid[None, :], attn_logits, -jnp.inf)
    attn = jax.nn.softmax(attn_logits, axis=-1)        # [B, K]
    combined = jnp.sum(attn[..., None] * retrieved, axis=1)  # [B, d]
    memory_output = combined @ Wc + bc                 # [B, d]
    return memory_output

if __name__ == "__main__":
    import jax
    _d = setup_inputs()
    print(jax.jit(kernel)(*tuple(_d.values())))

</pallas_src>

<mosaic_0001>
#map = affine_map<(d0, d1) -> (0, 0)>
#map1 = affine_map<(d0, d1) -> (0)>
module attributes {stable_mosaic.version = 14 : i64} {
  func.func @_gather(%arg0: i32, %arg1: i32, %arg2: memref<100000x128xf32, #tpu.memory_space<hbm>>, %arg3: memref<8192xi32, #tpu.memory_space<hbm>>, %arg4: memref<8192x128xf32, #tpu.memory_space<hbm>>, %arg5: memref<128xi32, #tpu.memory_space<vmem>>, %arg6: memref<128x128xf32, #tpu.memory_space<vmem>>, %arg7: memref<!tpu.dma_semaphore, #tpu.memory_space<semaphore_mem>>) attributes {dimension_semantics = [#tpu.dimension_semantics<core_parallel>, #tpu.dimension_semantics<subcore_parallel>], iteration_bounds = array<i64: 2, 16>, scalar_prefetch = 0 : i64, scratch_operands = 3 : i64, tpu.core_type = #tpu.core_type<sc_vector_subcore>, window_params = [{transform_indices = #map}, {transform_indices = #map1}, {transform_indices = #map}]} {
    %mul3A = arith.constant 2 : i32
    %mul3A_0 = arith.muli %arg1, %mul3A : i32
    %add3A = arith.addi %mul3A_0, %arg0 : i32
    %mul3A_1 = arith.constant 256 : i32
    %mul3A_2 = arith.muli %add3A, %mul3A_1 : i32
    %add3A_3 = arith.constant 0 : i32
    %add3A_4 = arith.addi %mul3A_2, %add3A_3 : i32
    "tpu.region"() ({
      %run_scoped3A = tpu.sem_alloc : memref<!tpu.dma_semaphore, #tpu.memory_space<semaphore_mem>>
      %dma_start3A_17 = tpu.memref_slice %arg3[%add3A_4] : memref<8192xi32, #tpu.memory_space<hbm>> -> memref<128xi32, #tpu.memory_space<hbm>>
      %dma_start3A_18 = tpu.memref_slice %arg3[%add3A_4] : memref<8192xi32, #tpu.memory_space<hbm>> -> memref<128xi32, #tpu.memory_space<hbm>>
      tpu.enqueue_dma source(%dma_start3A_18 : memref<128xi32, #tpu.memory_space<hbm>>) target(%arg5 : memref<128xi32, #tpu.memory_space<vmem>>) target_semaphore(%run_scoped3A : memref<!tpu.dma_semaphore, #tpu.memory_space<semaphore_mem>>)
      %dma_wait3A_19 = tpu.memref_slice %arg3[%add3A_4] : memref<8192xi32, #tpu.memory_space<hbm>> -> memref<128xi32, #tpu.memory_space<hbm>>
      %dma_wait3A_20 = tpu.memref_slice %arg3[%add3A_4] : memref<8192xi32, #tpu.memory_space<hbm>> -> memref<128xi32, #tpu.memory_space<hbm>>
      tpu.wait_dma2 semaphore(%run_scoped3A : memref<!tpu.dma_semaphore, #tpu.memory_space<semaphore_mem>>) src(%dma_wait3A_20 : memref<128xi32, #tpu.memory_space<hbm>>) dst(%arg5 : memref<128xi32, #tpu.memory_space<vmem>>)
      tpu.yield
    }) : () -> ()
    %dma_start3A = arith.constant 0 : i32
    %dma_start3A_5 = arith.constant 0 : i32
    %dma_start3A_6 = tpu.memref_slice %arg2[%dma_start3A, %dma_start3A_5] : memref<100000x128xf32, #tpu.memory_space<hbm>> -> memref<100000x128xf32, #tpu.memory_space<hbm>>
    tpu.enqueue_indirect_dma source(%dma_start3A_6 : memref<100000x128xf32, #tpu.memory_space<hbm>>) target(%arg6 : memref<128x128xf32, #tpu.memory_space<vmem>>) offsets(%arg5 : memref<128xi32, #tpu.memory_space<vmem>>) semaphore(%arg7 : memref<!tpu.dma_semaphore, #tpu.memory_space<semaphore_mem>>)
    %dma_wait3A = arith.constant 0 : i32
    %dma_wait3A_7 = arith.constant 0 : i32
    %dma_wait3A_8 = tpu.memref_slice %arg2[%dma_wait3A, %dma_wait3A_7] : memref<100000x128xf32, #tpu.memory_space<hbm>> -> memref<100000x128xf32, #tpu.memory_space<hbm>>
    tpu.wait_indirect_dma semaphore(%arg7 : memref<!tpu.dma_semaphore, #tpu.memory_space<semaphore_mem>>) src(%dma_wait3A_8 : memref<100000x128xf32, #tpu.memory_space<hbm>>) dst(%arg6 : memref<128x128xf32, #tpu.memory_space<vmem>>)
    "tpu.region"() ({
      %run_scoped3A = tpu.sem_alloc : memref<!tpu.dma_semaphore, #tpu.memory_space<semaphore_mem>>
      %dma_start3A_17 = arith.constant 0 : i32
      %dma_start3A_18 = tpu.memref_slice %arg4[%add3A_4, %dma_start3A_17] : memref<8192x128xf32, #tpu.memory_space<hbm>> -> memref<128x128xf32, #tpu.memory_space<hbm>>
      %dma_start3A_19 = arith.constant 0 : i32
      %dma_start3A_20 = tpu.memref_slice %arg4[%add3A_4, %dma_start3A_19] : memref<8192x128xf32, #tpu.memory_space<hbm>> -> memref<128x128xf32, #tpu.memory_space<hbm>>
      tpu.enqueue_dma source(%arg6 : memref<128x128xf32, #tpu.memory_space<vmem>>) target(%dma_start3A_20 : memref<128x128xf32, #tpu.memory_space<hbm>>) target_semaphore(%run_scoped3A : memref<!tpu.dma_semaphore, #tpu.memory_space<semaphore_mem>>)
      %dma_wait3A_21 = arith.constant 0 : i32
      %dma_wait3A_22 = tpu.memref_slice %arg4[%add3A_4, %dma_wait3A_21] : memref<8192x128xf32, #tpu.memory_space<hbm>> -> memref<128x128xf32, #tpu.memory_space<hbm>>
      %dma_wait3A_23 = arith.constant 0 : i32
      %dma_wait3A_24 = tpu.memref_slice %arg4[%add3A_4, %dma_wait3A_23] : memref<8192x128xf32, #tpu.memory_space<hbm>> -> memref<128x128xf32, #tpu.memory_space<hbm>>
      tpu.wait_dma2 semaphore(%run_scoped3A : memref<!tpu.dma_semaphore, #tpu.memory_space<semaphore_mem>>) src(%arg6 : memref<128x128xf32, #tpu.memory_space<vmem>>) dst(%dma_wait3A_24 : memref<128x128xf32, #tpu.memory_space<hbm>>)
      tpu.yield
    }) : () -> ()
    %add3A_9 = arith.constant 128 : i32
    %add3A_10 = arith.addi %mul3A_2, %add3A_9 : i32
    "tpu.region"() ({
      %run_scoped3A = tpu.sem_alloc : memref<!tpu.dma_semaphore, #tpu.memory_space<semaphore_mem>>
      %dma_start3A_17 = tpu.memref_slice %arg3[%add3A_10] : memref<8192xi32, #tpu.memory_space<hbm>> -> memref<128xi32, #tpu.memory_space<hbm>>
      %dma_start3A_18 = tpu.memref_slice %arg3[%add3A_10] : memref<8192xi32, #tpu.memory_space<hbm>> -> memref<128xi32, #tpu.memory_space<hbm>>
      tpu.enqueue_dma source(%dma_start3A_18 : memref<128xi32, #tpu.memory_space<hbm>>) target(%arg5 : memref<128xi32, #tpu.memory_space<vmem>>) target_semaphore(%run_scoped3A : memref<!tpu.dma_semaphore, #tpu.memory_space<semaphore_mem>>)
      %dma_wait3A_19 = tpu.memref_slice %arg3[%add3A_10] : memref<8192xi32, #tpu.memory_space<hbm>> -> memref<128xi32, #tpu.memory_space<hbm>>
      %dma_wait3A_20 = tpu.memref_slice %arg3[%add3A_10] : memref<8192xi32, #tpu.memory_space<hbm>> -> memref<128xi32, #tpu.memory_space<hbm>>
      tpu.wait_dma2 semaphore(%run_scoped3A : memref<!tpu.dma_semaphore, #tpu.memory_space<semaphore_mem>>) src(%dma_wait3A_20 : memref<128xi32, #tpu.memory_space<hbm>>) dst(%arg5 : memref<128xi32, #tpu.memory_space<vmem>>)
      tpu.yield
    }) : () -> ()
    %dma_start3A_11 = arith.constant 0 : i32
    %dma_start3A_12 = arith.constant 0 : i32
    %dma_start3A_13 = tpu.memref_slice %arg2[%dma_start3A_11, %dma_start3A_12] : memref<100000x128xf32, #tpu.memory_space<hbm>> -> memref<100000x128xf32, #tpu.memory_space<hbm>>
    tpu.enqueue_indirect_dma source(%dma_start3A_13 : memref<100000x128xf32, #tpu.memory_space<hbm>>) target(%arg6 : memref<128x128xf32, #tpu.memory_space<vmem>>) offsets(%arg5 : memref<128xi32, #tpu.memory_space<vmem>>) semaphore(%arg7 : memref<!tpu.dma_semaphore, #tpu.memory_space<semaphore_mem>>)
    %dma_wait3A_14 = arith.constant 0 : i32
    %dma_wait3A_15 = arith.constant 0 : i32
    %dma_wait3A_16 = tpu.memref_slice %arg2[%dma_wait3A_14, %dma_wait3A_15] : memref<100000x128xf32, #tpu.memory_space<hbm>> -> memref<100000x128xf32, #tpu.memory_space<hbm>>
    tpu.wait_indirect_dma semaphore(%arg7 : memref<!tpu.dma_semaphore, #tpu.memory_space<semaphore_mem>>) src(%dma_wait3A_16 : memref<100000x128xf32, #tpu.memory_space<hbm>>) dst(%arg6 : memref<128x128xf32, #tpu.memory_space<vmem>>)
    "tpu.region"() ({
      %run_scoped3A = tpu.sem_alloc : memref<!tpu.dma_semaphore, #tpu.memory_space<semaphore_mem>>
      %dma_start3A_17 = arith.constant 0 : i32
      %dma_start3A_18 = tpu.memref_slice %arg4[%add3A_10, %dma_start3A_17] : memref<8192x128xf32, #tpu.memory_space<hbm>> -> memref<128x128xf32, #tpu.memory_space<hbm>>
      %dma_start3A_19 = arith.constant 0 : i32
      %dma_start3A_20 = tpu.memref_slice %arg4[%add3A_10, %dma_start3A_19] : memref<8192x128xf32, #tpu.memory_space<hbm>> -> memref<128x128xf32, #tpu.memory_space<hbm>>
      tpu.enqueue_dma source(%arg6 : memref<128x128xf32, #tpu.memory_space<vmem>>) target(%dma_start3A_20 : memref<128x128xf32, #tpu.memory_space<hbm>>) target_semaphore(%run_scoped3A : memref<!tpu.dma_semaphore, #tpu.memory_space<semaphore_mem>>)
      %dma_wait3A_21 = arith.constant 0 : i32
      %dma_wait3A_22 = tpu.memref_slice %arg4[%add3A_10, %dma_wait3A_21] : memref<8192x128xf32, #tpu.memory_space<hbm>> -> memref<128x128xf32, #tpu.memory_space<hbm>>
      %dma_wait3A_23 = arith.constant 0 : i32
      %dma_wait3A_24 = tpu.memref_slice %arg4[%add3A_10, %dma_wait3A_23] : memref<8192x128xf32, #tpu.memory_space<hbm>> -> memref<128x128xf32, #tpu.memory_space<hbm>>
      tpu.wait_dma2 semaphore(%run_scoped3A : memref<!tpu.dma_semaphore, #tpu.memory_space<semaphore_mem>>) src(%arg6 : memref<128x128xf32, #tpu.memory_space<vmem>>) dst(%dma_wait3A_24 : memref<128x128xf32, #tpu.memory_space<hbm>>)
      tpu.yield
    }) : () -> ()
    return
  }
}

module attributes {stable_mosaic.version = 14 : i64} {
  func.func @_simstopk_body(%arg0: i32, %arg1: memref<1024x1024xf32, #tpu.memory_space<vmem>>, %arg2: memref<1024x128xf32, #tpu.memory_space<vmem>>, %arg3: memref<1x128xf32, #tpu.memory_space<vmem>>, %arg4: memref<2048x128xf32, #tpu.memory_space<vmem>>, %arg5: memref<1x1x2048xf32, #tpu.memory_space<vmem>>, %arg6: memref<1024x8xi32, #tpu.memory_space<vmem>>, %arg7: memref<1024x128xf32, #tpu.memory_space<vmem>>, %arg8: memref<1024x8xf32, #tpu.memory_space<vmem>>, %arg9: memref<1024x8xi32, #tpu.memory_space<vmem>>) attributes {dimension_semantics = [#tpu.dimension_semantics<arbitrary>], iteration_bounds = array<i64: 49>, scalar_prefetch = 0 : i64, scratch_operands = 3 : i64, tpu.core_type = #tpu.core_type<tc>, window_params = [{pipeline_mode = #tpu.pipeline_mode<synchronous>, transform_indices = @transform_0, window_bounds = array<i64: 1024, 1024>}, {pipeline_mode = #tpu.pipeline_mode<synchronous>, transform_indices = @transform_1, window_bounds = array<i64: 1024, 128>}, {pipeline_mode = #tpu.pipeline_mode<synchronous>, transform_indices = @transform_2, window_bounds = array<i64: 1, 128>}, {transform_indices = @transform_3, window_bounds = array<i64: 2048, 128>}, {transform_indices = @transform_4, window_bounds = array<i64: 1, 1, 2048>}, {pipeline_mode = #tpu.pipeline_mode<synchronous>, transform_indices = @transform_5, window_bounds = array<i64: 1024, 8>}]} {
    %eq3A = arith.constant 0 : i32
    %eq3A_0 = arith.cmpi eq, %arg0, %eq3A : i32
    %convert_element_type3A = arith.extui %eq3A_0 : i1 to i32
    %cond3A = arith.constant 0 : i32
    %cond3A_1 = arith.cmpi ne, %convert_element_type3A, %cond3A : i32
    scf.if %cond3A_1 {
      %get3A_289 = arith.constant 0 : index
      %get3A_290 = arith.constant 0 : index
      %get3A_291 = vector.load %arg1[%get3A_289, %get3A_290] : memref<1024x1024xf32, #tpu.memory_space<vmem>>, vector<1024x1024xf32>
      %get3A_292 = arith.constant 0 : index
      %get3A_293 = arith.constant 0 : index
      %get3A_294 = vector.load %arg2[%get3A_292, %get3A_293] : memref<1024x128xf32, #tpu.memory_space<vmem>>, vector<1024x128xf32>
      %dot_general3A_295 = arith.constant dense<0.000000e+00> : vector<1024x128xf32>
      %dot_general3A_296 = tpu.matmul %get3A_291, %get3A_294, %dot_general3A_295 {dimension_numbers = #tpu.dot_dimension_numbers<[1], [0], [0], [1], [0, 0, 1, 1], [], []>, transpose_lhs_hint = false} : vector<1024x1024xf32>, vector<1024x128xf32>, vector<1024x128xf32> -> vector<1024x128xf32>
      %get3A_297 = arith.constant 0 : index
      %get3A_298 = arith.constant 0 : index
      %get3A_299 = vector.load %arg3[%get3A_297, %get3A_298] : memref<1x128xf32, #tpu.memory_space<vmem>>, vector<1x128xf32>
      %add3A_300 = vector.broadcast %get3A_299 : vector<1x128xf32> to vector<1024x128xf32>
      %add3A_301 = arith.addf %dot_general3A_296, %add3A_300 : vector<1024x128xf32>
      %mul3A_302 = arith.mulf %add3A_301, %add3A_301 : vector<1024x128xf32>
      %reduce_sum3A_303 = arith.constant dense<0.000000e+00> : vector<1024xf32>
      %reduce_sum3A_304 = vector.multi_reduction <add>, %mul3A_302, %reduce_sum3A_303 [1] : vector<1024x128xf32> to vector<1024xf32>
      %broadcast_in_dim3A_305 = vector.shape_cast %reduce_sum3A_304 : vector<1024xf32> to vector<1024x1xf32>
      %sqrt3A_306 = math.sqrt %broadcast_in_dim3A_305 : vector<1024x1xf32>
      %max3A_307 = arith.constant 9.99999996E-13 : f32
      %max3A_308 = vector.broadcast %max3A_307 : f32 to vector<1024x1xf32>
      %max3A_309 = arith.maximumf %sqrt3A_306, %max3A_308 : vector<1024x1xf32>
      %div3A_310 = vector.broadcast %max3A_309 : vector<1024x1xf32> to vector<1024x128xf32>
      %div3A_311 = arith.divf %add3A_301, %div3A_310 : vector<1024x128xf32>
      %swap3A_312 = arith.constant 0 : index
      %swap3A_313 = arith.constant 0 : index
      %swap3A_314 = vector.load %arg7[%swap3A_312, %swap3A_313] : memref<1024x128xf32, #tpu.memory_space<vmem>>, vector<1024x128xf32>
      tpu.vector_store %arg7[%swap3A_312, %swap3A_313], %div3A_311 {strides = array<i32>} : memref<1024x128xf32, #tpu.memory_space<vmem>>, vector<1024x128xf32>,
      %broadcast_in_dim3A_315 = arith.constant -3.000000e+38 : f32
      %broadcast_in_dim3A_316 = vector.broadcast %broadcast_in_dim3A_315 : f32 to vector<1024x8xf32>
      %swap3A_317 = arith.constant 0 : index
      %swap3A_318 = arith.constant 0 : index
      %swap3A_319 = vector.load %arg8[%swap3A_317, %swap3A_318] : memref<1024x8xf32, #tpu.memory_space<vmem>>, vector<1024x8xf32>
      tpu.vector_store %arg8[%swap3A_317, %swap3A_318], %broadcast_in_dim3A_316 {strides = array<i32>} : memref<1024x8xf32, #tpu.memory_space<vmem>>, vector<1024x8xf32>,
      %broadcast_in_dim3A_320 = arith.constant -1 : i32
      %broadcast_in_dim3A_321 = vector.broadcast %broadcast_in_dim3A_320 : i32 to vector<1024x8xi32>
      %swap3A_322 = arith.constant 0 : index
      %swap3A_323 = arith.constant 0 : index
      %swap3A_324 = vector.load %arg9[%swap3A_322, %swap3A_323] : memref<1024x8xi32, #tpu.memory_space<vmem>>, vector<1024x8xi32>
      tpu.vector_store %arg9[%swap3A_322, %swap3A_323], %broadcast_in_dim3A_321 {strides = array<i32>} : memref<1024x8xi32, #tpu.memory_space<vmem>>, vector<1024x8xi32>,
    } else {
    }
    %get3A = arith.constant 0 : index
    %get3A_2 = arith.constant 0 : index
    %get3A_3 = vector.load %arg4[%get3A, %get3A_2] : memref<2048x128xf32, #tpu.memory_space<vmem>>, vector<2048x128xf32>
    %mul3A = arith.mulf %get3A_3, %get3A_3 : vector<2048x128xf32>
    %reduce_sum3A = arith.constant dense<0.000000e+00> : vector<2048xf32>
    %reduce_sum3A_4 = vector.multi_reduction <add>, %mul3A, %reduce_sum3A [1] : vector<2048x128xf32> to vector<2048xf32>
    %broadcast_in_dim3A = vector.shape_cast %reduce_sum3A_4 : vector<2048xf32> to vector<2048x1xf32>
    %sqrt3A = math.sqrt %broadcast_in_dim3A : vector<2048x1xf32>
    %max3A = arith.constant 9.99999996E-13 : f32
    %max3A_5 = vector.broadcast %max3A : f32 to vector<2048x1xf32>
    %max3A_6 = arith.maximumf %sqrt3A, %max3A_5 : vector<2048x1xf32>
    %div3A = vector.broadcast %max3A_6 : vector<2048x1xf32> to vector<2048x128xf32>
    %div3A_7 = arith.divf %get3A_3, %div3A : vector<2048x128xf32>
    %get3A_8 = arith.constant 0 : index
    %get3A_9 = arith.constant 0 : index
    %get3A_10 = vector.load %arg7[%get3A_8, %get3A_9] : memref<1024x128xf32, #tpu.memory_space<vmem>>, vector<1024x128xf32>
    %dot_general3A = arith.constant dense<0.000000e+00> : vector<1024x2048xf32>
    %dot_general3A_11 = tpu.matmul %get3A_10, %div3A_7, %dot_general3A {dimension_numbers = #tpu.dot_dimension_numbers<[1], [1], [0], [0], [0, 0, 1, 0], [], []>, transpose_lhs_hint = false} : vector<1024x128xf32>, vector<2048x128xf32>, vector<1024x2048xf32> -> vector<1024x2048xf32>
    %get3A_12 = arith.constant 0 : index
    %get3A_13 = arith.constant 0 : index
    %get3A_14 = arith.constant 0 : index
    %get3A_15 = vector.load %arg5[%get3A_12, %get3A_13, %get3A_14] : memref<1x1x2048xf32, #tpu.memory_space<vmem>>, vector<1x1x2048xf32>
    %get3A_16 = vector.shape_cast %get3A_15 : vector<1x1x2048xf32> to vector<1x2048xf32>
    %mul3A_17 = vector.broadcast %get3A_16 : vector<1x2048xf32> to vector<1024x2048xf32>
    %mul3A_18 = arith.mulf %dot_general3A_11, %mul3A_17 : vector<1024x2048xf32>
    %mul3A_19 = arith.constant 2048 : i32
    %mul3A_20 = arith.muli %arg0, %mul3A_19 : i32
    %iota3A = tpu.iota {dimensions = array<i32: 1>} : vector<1024x2048xi32>
    %add3A = vector.broadcast %mul3A_20 : i32 to vector<1024x2048xi32>
    %add3A_21 = arith.addi %add3A, %iota3A : vector<1024x2048xi32>
    %lt3A = arith.constant 100000 : i32
    %lt3A_22 = vector.broadcast %lt3A : i32 to vector<1024x2048xi32>
    %lt3A_23 = arith.cmpi slt, %add3A_21, %lt3A_22 : vector<1024x2048xi32>
    %jit3A = arith.constant -3.000000e+38 : f32
    %broadcast_in_dim3A_24 = vector.broadcast %jit3A : f32 to vector<1024x2048xf32>
    %select_n3A = arith.select %lt3A_23, %mul3A_18, %broadcast_in_dim3A_24 : vector<1024x2048xi1>, vector<1024x2048xf32>
    %reduce_max3A = arith.constant dense<0xFF800000> : vector<1024xf32>
    %reduce_max3A_25 = vector.multi_reduction <maximumf>, %select_n3A, %reduce_max3A [1] : vector<1024x2048xf32> to vector<1024xf32>
    %broadcast_in_dim3A_26 = vector.shape_cast %reduce_max3A_25 : vector<1024xf32> to vector<1024x1xf32>
    %ge3A = vector.broadcast %broadcast_in_dim3A_26 : vector<1024x1xf32> to vector<1024x2048xf32>
    %ge3A_27 = arith.cmpf oge, %select_n3A, %ge3A : vector<1024x2048xf32>
    %jit3A_28 = arith.constant 1073741824 : i32
    %broadcast_in_dim3A_29 = vector.broadcast %jit3A_28 : i32 to vector<1024x2048xi32>
    %select_n3A_30 = arith.select %ge3A_27, %add3A_21, %broadcast_in_dim3A_29 : vector<1024x2048xi1>, vector<1024x2048xi32>
    %reduce_min3A = arith.constant dense<2147483647> : vector<1024xi32>
    %reduce_min3A_31 = vector.multi_reduction <minsi>, %select_n3A_30, %reduce_min3A [1] : vector<1024x2048xi32> to vector<1024xi32>
    %broadcast_in_dim3A_32 = vector.shape_cast %reduce_min3A_31 : vector<1024xi32> to vector<1024x1xi32>
    %eq3A_33 = vector.broadcast %broadcast_in_dim3A_32 : vector<1024x1xi32> to vector<1024x2048xi32>
    %eq3A_34 = arith.cmpi eq, %add3A_21, %eq3A_33 : vector<1024x2048xi32>
    %jit3A_35 = arith.constant -3.000000e+38 : f32
    %broadcast_in_dim3A_36 = vector.broadcast %jit3A_35 : f32 to vector<1024x2048xf32>
    %select_n3A_37 = arith.select %eq3A_34, %broadcast_in_dim3A_36, %select_n3A : vector<1024x2048xi1>, vector<1024x2048xf32>
    %reduce_max3A_38 = arith.constant dense<0xFF800000> : vector<1024xf32>
    %reduce_max3A_39 = vector.multi_reduction <maximumf>, %select_n3A_37, %reduce_max3A_38 [1] : vector<1024x2048xf32> to vector<1024xf32>
    %broadcast_in_dim3A_40 = vector.shape_cast %reduce_max3A_39 : vector<1024xf32> to vector<1024x1xf32>
    %ge3A_41 = vector.broadcast %broadcast_in_dim3A_40 : vector<1024x1xf32> to vector<1024x2048xf32>
    %ge3A_42 = arith.cmpf oge, %select_n3A_37, %ge3A_41 : vector<1024x2048xf32>
    %jit3A_43 = arith.constant 1073741824 : i32
    %broadcast_in_dim3A_44 = vector.broadcast %jit3A_43 : i32 to vector<1024x2048xi32>
    %select_n3A_45 = arith.select %ge3A_42, %add3A_21, %broadcast_in_dim3A_44 : vector<1024x2048xi1>, vector<1024x2048xi32>
    %reduce_min3A_46 = arith.constant dense<2147483647> : vector<1024xi32>
    %reduce_min3A_47 = vector.multi_reduction <minsi>, %select_n3A_45, %reduce_min3A_46 [1] : vector<1024x2048xi32> to vector<1024xi32>
    %broadcast_in_dim3A_48 = vector.shape_cast %reduce_min3A_47 : vector<1024xi32> to vector<1024x1xi32>
    %eq3A_49 = vector.broadcast %broadcast_in_dim3A_48 : vector<1024x1xi32> to vector<1024x2048xi32>
    %eq3A_50 = arith.cmpi eq, %add3A_21, %eq3A_49 : vector<1024x2048xi32>
    %jit3A_51 = arith.constant -3.000000e+38 : f32
    %broadcast_in_dim3A_52 = vector.broadcast %jit3A_51 : f32 to vector<1024x2048xf32>
    %select_n3A_53 = arith.select %eq3A_50, %broadcast_in_dim3A_52, %select_n3A_37 : vector<1024x2048xi1>, vector<1024x2048xf32>
    %reduce_max3A_54 = arith.constant dense<0xFF800000> : vector<1024xf32>
    %reduce_max3A_55 = vector.multi_reduction <maximumf>, %select_n3A_53, %reduce_max3A_54 [1] : vector<1024x2048xf32> to vector<1024xf32>
    %broadcast_in_dim3A_56 = vector.shape_cast %reduce_max3A_55 : vector<1024xf32> to vector<1024x1xf32>
    %ge3A_57 = vector.broadcast %broadcast_in_dim3A_56 : vector<1024x1xf32> to vector<1024x2048xf32>
    %ge3A_58 = arith.cmpf oge, %select_n3A_53, %ge3A_57 : vector<1024x2048xf32>
    %jit3A_59 = arith.constant 1073741824 : i32
    %broadcast_in_dim3A_60 = vector.broadcast %jit3A_59 : i32 to vector<1024x2048xi32>
    %select_n3A_61 = arith.select %ge3A_58, %add3A_21, %broadcast_in_dim3A_60 : vector<1024x2048xi1>, vector<1024x2048xi32>
    %reduce_min3A_62 = arith.constant dense<2147483647> : vector<1024xi32>
    %reduce_min3A_63 = vector.multi_reduction <minsi>, %select_n3A_61, %reduce_min3A_62 [1] : vector<1024x2048xi32> to vector<1024xi32>
    %broadcast_in_dim3A_64 = vector.shape_cast %reduce_min3A_63 : vector<1024xi32> to vector<1024x1xi32>
    %eq3A_65 = vector.broadcast %broadcast_in_dim3A_64 : vector<1024x1xi32> to vector<1024x2048xi32>
    %eq3A_66 = arith.cmpi eq, %add3A_21, %eq3A_65 : vector<1024x2048xi32>
    %jit3A_67 = arith.constant -3.000000e+38 : f32
    %broadcast_in_dim3A_68 = vector.broadcast %jit3A_67 : f32 to vector<1024x2048xf32>
    %select_n3A_69 = arith.select %eq3A_66, %broadcast_in_dim3A_68, %select_n3A_53 : vector<1024x2048xi1>, vector<1024x2048xf32>
    %reduce_max3A_70 = arith.constant dense<0xFF800000> : vector<1024xf32>
    %reduce_max3A_71 = vector.multi_reduction <maximumf>, %select_n3A_69, %reduce_max3A_70 [1] : vector<1024x2048xf32> to vector<1024xf32>
    %broadcast_in_dim3A_72 = vector.shape_cast %reduce_max3A_71 : vector<1024xf32> to vector<1024x1xf32>
    %ge3A_73 = vector.broadcast %broadcast_in_dim3A_72 : vector<1024x1xf32> to vector<1024x2048xf32>
    %ge3A_74 = arith.cmpf oge, %select_n3A_69, %ge3A_73 : vector<1024x2048xf32>
    %jit3A_75 = arith.constant 1073741824 : i32
    %broadcast_in_dim3A_76 = vector.broadcast %jit3A_75 : i32 to vector<1024x2048xi32>
    %select_n3A_77 = arith.select %ge3A_74, %add3A_21, %broadcast_in_dim3A_76 : vector<1024x2048xi1>, vector<1024x2048xi32>
    %reduce_min3A_78 = arith.constant dense<2147483647> : vector<1024xi32>
    %reduce_min3A_79 = vector.multi_reduction <minsi>, %select_n3A_77, %reduce_min3A_78 [1] : vector<1024x2048xi32> to vector<1024xi32>
    %broadcast_in_dim3A_80 = vector.shape_cast %reduce_min3A_79 : vector<1024xi32> to vector<1024x1xi32>
    %eq3A_81 = vector.broadcast %broadcast_in_dim3A_80 : vector<1024x1xi32> to vector<1024x2048xi32>
    %eq3A_82 = arith.cmpi eq, %add3A_21, %eq3A_81 : vector<1024x2048xi32>
    %jit3A_83 = arith.constant -3.000000e+38 : f32
    %broadcast_in_dim3A_84 = vector.broadcast %jit3A_83 : f32 to vector<1024x2048xf32>
    %select_n3A_85 = arith.select %eq3A_82, %broadcast_in_dim3A_84, %select_n3A_69 : vector<1024x2048xi1>, vector<1024x2048xf32>
    %reduce_max3A_86 = arith.constant dense<0xFF800000> : vector<1024xf32>
    %reduce_max3A_87 = vector.multi_reduction <maximumf>, %select_n3A_85, %reduce_max3A_86 [1] : vector<1024x2048xf32> to vector<1024xf32>
    %broadcast_in_dim3A_88 = vector.shape_cast %reduce_max3A_87 : vector<1024xf32> to vector<1024x1xf32>
    %ge3A_89 = vector.broadcast %broadcast_in_dim3A_88 : vector<1024x1xf32> to vector<1024x2048xf32>
    %ge3A_90 = arith.cmpf oge, %select_n3A_85, %ge3A_89 : vector<1024x2048xf32>
    %jit3A_91 = arith.constant 1073741824 : i32
    %broadcast_in_dim3A_92 = vector.broadcast %jit3A_91 : i32 to vector<1024x2048xi32>
    %select_n3A_93 = arith.select %ge3A_90, %add3A_21, %broadcast_in_dim3A_92 : vector<1024x2048xi1>, vector<1024x2048xi32>
    %reduce_min3A_94 = arith.constant dense<2147483647> : vector<1024xi32>
    %reduce_min3A_95 = vector.multi_reduction <minsi>, %select_n3A_93, %reduce_min3A_94 [1] : vector<1024x2048xi32> to vector<1024xi32>
    %broadcast_in_dim3A_96 = vector.shape_cast %reduce_min3A_95 : vector<1024xi32> to vector<1024x1xi32>
    %eq3A_97 = vector.broadcast %broadcast_in_dim3A_96 : vector<1024x1xi32> to vector<1024x2048xi32>
    %eq3A_98 = arith.cmpi eq, %add3A_21, %eq3A_97 : vector<1024x2048xi32>
    %jit3A_99 = arith.constant -3.000000e+38 : f32
    %broadcast_in_dim3A_100 = vector.broadcast %jit3A_99 : f32 to vector<1024x2048xf32>
    %select_n3A_101 = arith.select %eq3A_98, %broadcast_in_dim3A_100, %select_n3A_85 : vector<1024x2048xi1>, vector<1024x2048xf32>
    %reduce_max3A_102 = arith.constant dense<0xFF800000> : vector<1024xf32>
    %reduce_max3A_103 = vector.multi_reduction <maximumf>, %select_n3A_101, %reduce_max3A_102 [1] : vector<1024x2048xf32> to vector<1024xf32>
    %broadcast_in_dim3A_104 = vector.shape_cast %reduce_max3A_103 : vector<1024xf32> to vector<1024x1xf32>
    %ge3A_105 = vector.broadcast %broadcast_in_dim3A_104 : vector<1024x1xf32> to vector<1024x2048xf32>
    %ge3A_106 = arith.cmpf oge, %select_n3A_101, %ge3A_105 : vector<1024x2048xf32>
    %jit3A_107 = arith.constant 1073741824 : i32
    %broadcast_in_dim3A_108 = vector.broadcast %jit3A_107 : i32 to vector<1024x2048xi32>
    %select_n3A_109 = arith.select %ge3A_106, %add3A_21, %broadcast_in_dim3A_108 : vector<1024x2048xi1>, vector<1024x2048xi32>
    %reduce_min3A_110 = arith.constant dense<2147483647> : vector<1024xi32>
    %reduce_min3A_111 = vector.multi_reduction <minsi>, %select_n3A_109, %reduce_min3A_110 [1] : vector<1024x2048xi32> to vector<1024xi32>
    %broadcast_in_dim3A_112 = vector.shape_cast %reduce_min3A_111 : vector<1024xi32> to vector<1024x1xi32>
    %eq3A_113 = vector.broadcast %broadcast_in_dim3A_112 : vector<1024x1xi32> to vector<1024x2048xi32>
    %eq3A_114 = arith.cmpi eq, %add3A_21, %eq3A_113 : vector<1024x2048xi32>
    %jit3A_115 = arith.constant -3.000000e+38 : f32
    %broadcast_in_dim3A_116 = vector.broadcast %jit3A_115 : f32 to vector<1024x2048xf32>
    %select_n3A_117 = arith.select %eq3A_114, %broadcast_in_dim3A_116, %select_n3A_101 : vector<1024x2048xi1>, vector<1024x2048xf32>
    %reduce_max3A_118 = arith.constant dense<0xFF800000> : vector<1024xf32>
    %reduce_max3A_119 = vector.multi_reduction <maximumf>, %select_n3A_117, %reduce_max3A_118 [1] : vector<1024x2048xf32> to vector<1024xf32>
    %broadcast_in_dim3A_120 = vector.shape_cast %reduce_max3A_119 : vector<1024xf32> to vector<1024x1xf32>
    %ge3A_121 = vector.broadcast %broadcast_in_dim3A_120 : vector<1024x1xf32> to vector<1024x2048xf32>
    %ge3A_122 = arith.cmpf oge, %select_n3A_117, %ge3A_121 : vector<1024x2048xf32>
    %jit3A_123 = arith.constant 1073741824 : i32
    %broadcast_in_dim3A_124 = vector.broadcast %jit3A_123 : i32 to vector<1024x2048xi32>
    %select_n3A_125 = arith.select %ge3A_122, %add3A_21, %broadcast_in_dim3A_124 : vector<1024x2048xi1>, vector<1024x2048xi32>
    %reduce_min3A_126 = arith.constant dense<2147483647> : vector<1024xi32>
    %reduce_min3A_127 = vector.multi_reduction <minsi>, %select_n3A_125, %reduce_min3A_126 [1] : vector<1024x2048xi32> to vector<1024xi32>
    %broadcast_in_dim3A_128 = vector.shape_cast %reduce_min3A_127 : vector<1024xi32> to vector<1024x1xi32>
    %eq3A_129 = vector.broadcast %broadcast_in_dim3A_128 : vector<1024x1xi32> to vector<1024x2048xi32>
    %eq3A_130 = arith.cmpi eq, %add3A_21, %eq3A_129 : vector<1024x2048xi32>
    %jit3A_131 = arith.constant -3.000000e+38 : f32
    %broadcast_in_dim3A_132 = vector.broadcast %jit3A_131 : f32 to vector<1024x2048xf32>
    %select_n3A_133 = arith.select %eq3A_130, %broadcast_in_dim3A_132, %select_n3A_117 : vector<1024x2048xi1>, vector<1024x2048xf32>
    %reduce_max3A_134 = arith.constant dense<0xFF800000> : vector<1024xf32>
    %reduce_max3A_135 = vector.multi_reduction <maximumf>, %select_n3A_133, %reduce_max3A_134 [1] : vector<1024x2048xf32> to vector<1024xf32>
    %broadcast_in_dim3A_136 = vector.shape_cast %reduce_max3A_135 : vector<1024xf32> to vector<1024x1xf32>
    %ge3A_137 = vector.broadcast %broadcast_in_dim3A_136 : vector<1024x1xf32> to vector<1024x2048xf32>
    %ge3A_138 = arith.cmpf oge, %select_n3A_133, %ge3A_137 : vector<1024x2048xf32>
    %jit3A_139 = arith.constant 1073741824 : i32
    %broadcast_in_dim3A_140 = vector.broadcast %jit3A_139 : i32 to vector<1024x2048xi32>
    %select_n3A_141 = arith.select %ge3A_138, %add3A_21, %broadcast_in_dim3A_140 : vector<1024x2048xi1>, vector<1024x2048xi32>
    %reduce_min3A_142 = arith.constant dense<2147483647> : vector<1024xi32>
    %reduce_min3A_143 = vector.multi_reduction <minsi>, %select_n3A_141, %reduce_min3A_142 [1] : vector<1024x2048xi32> to vector<1024xi32>
    %broadcast_in_dim3A_144 = vector.shape_cast %reduce_min3A_143 : vector<1024xi32> to vector<1024x1xi32>
    %concatenate3A = tpu.concatenate %broadcast_in_dim3A_26, %broadcast_in_dim3A_40, %broadcast_in_dim3A_56, %broadcast_in_dim3A_72, %broadcast_in_dim3A_88, %broadcast_in_dim3A_104, %broadcast_in_dim3A_120, %broadcast_in_dim3A_136 in 1 : vector<1024x1xf32>, vector<1024x1xf32>, vector<1024x1xf32>, vector<1024x1xf32>, vector<1024x1xf32>, vector<1024x1xf32>, vector<1024x1xf32>, vector<1024x1xf32> -> vector<1024x8xf32>
    %concatenate3A_145 = tpu.concatenate %broadcast_in_dim3A_32, %broadcast_in_dim3A_48, %broadcast_in_dim3A_64, %broadcast_in_dim3A_80, %broadcast_in_dim3A_96, %broadcast_in_dim3A_112, %broadcast_in_dim3A_128, %broadcast_in_dim3A_144 in 1 : vector<1024x1xi32>, vector<1024x1xi32>, vector<1024x1xi32>, vector<1024x1xi32>, vector<1024x1xi32>, vector<1024x1xi32>, vector<1024x1xi32>, vector<1024x1xi32> -> vector<1024x8xi32>
    %get3A_146 = arith.constant 0 : index
    %get3A_147 = arith.constant 0 : index
    %get3A_148 = vector.load %arg8[%get3A_146, %get3A_147] : memref<1024x8xf32, #tpu.memory_space<vmem>>, vector<1024x8xf32>
    %concatenate3A_149 = tpu.concatenate %get3A_148, %concatenate3A in 1 : vector<1024x8xf32>, vector<1024x8xf32> -> vector<1024x16xf32>
    %get3A_150 = arith.constant 0 : index
    %get3A_151 = arith.constant 0 : index
    %get3A_152 = vector.load %arg9[%get3A_150, %get3A_151] : memref<1024x8xi32, #tpu.memory_space<vmem>>, vector<1024x8xi32>
    %concatenate3A_153 = tpu.concatenate %get3A_152, %concatenate3A_145 in 1 : vector<1024x8xi32>, vector<1024x8xi32> -> vector<1024x16xi32>
    %reduce_max3A_154 = arith.constant dense<0xFF800000> : vector<1024xf32>
    %reduce_max3A_155 = vector.multi_reduction <maximumf>, %concatenate3A_149, %reduce_max3A_154 [1] : vector<1024x16xf32> to vector<1024xf32>
    %broadcast_in_dim3A_156 = vector.shape_cast %reduce_max3A_155 : vector<1024xf32> to vector<1024x1xf32>
    %ge3A_157 = vector.broadcast %broadcast_in_dim3A_156 : vector<1024x1xf32> to vector<1024x16xf32>
    %ge3A_158 = arith.cmpf oge, %concatenate3A_149, %ge3A_157 : vector<1024x16xf32>
    %jit3A_159 = arith.constant 1073741824 : i32
    %broadcast_in_dim3A_160 = vector.broadcast %jit3A_159 : i32 to vector<1024x16xi32>
    %select_n3A_161 = arith.select %ge3A_158, %concatenate3A_153, %broadcast_in_dim3A_160 : vector<1024x16xi1>, vector<1024x16xi32>
    %reduce_min3A_162 = arith.constant dense<2147483647> : vector<1024xi32>
    %reduce_min3A_163 = vector.multi_reduction <minsi>, %select_n3A_161, %reduce_min3A_162 [1] : vector<1024x16xi32> to vector<1024xi32>
    %broadcast_in_dim3A_164 = vector.shape_cast %reduce_min3A_163 : vector<1024xi32> to vector<1024x1xi32>
    %eq3A_165 = vector.broadcast %broadcast_in_dim3A_164 : vector<1024x1xi32> to vector<1024x16xi32>
    %eq3A_166 = arith.cmpi eq, %concatenate3A_153, %eq3A_165 : vector<1024x16xi32>
    %jit3A_167 = arith.constant -3.000000e+38 : f32
    %broadcast_in_dim3A_168 = vector.broadcast %jit3A_167 : f32 to vector<1024x16xf32>
    %select_n3A_169 = arith.select %eq3A_166, %broadcast_in_dim3A_168, %concatenate3A_149 : vector<1024x16xi1>, vector<1024x16xf32>
    %reduce_max3A_170 = arith.constant dense<0xFF800000> : vector<1024xf32>
    %reduce_max3A_171 = vector.multi_reduction <maximumf>, %select_n3A_169, %reduce_max3A_170 [1] : vector<1024x16xf32> to vector<1024xf32>
    %broadcast_in_dim3A_172 = vector.shape_cast %reduce_max3A_171 : vector<1024xf32> to vector<1024x1xf32>
    %ge3A_173 = vector.broadcast %broadcast_in_dim3A_172 : vector<1024x1xf32> to vector<1024x16xf32>
    %ge3A_174 = arith.cmpf oge, %select_n3A_169, %ge3A_173 : vector<1024x16xf32>
    %jit3A_175 = arith.constant 1073741824 : i32
    %broadcast_in_dim3A_176 = vector.broadcast %jit3A_175 : i32 to vector<1024x16xi32>
    %select_n3A_177 = arith.select %ge3A_174, %concatenate3A_153, %broadcast_in_dim3A_176 : vector<1024x16xi1>, vector<1024x16xi32>
    %reduce_min3A_178 = arith.constant dense<2147483647> : vector<1024xi32>
    %reduce_min3A_179 = vector.multi_reduction <minsi>, %select_n3A_177, %reduce_min3A_178 [1] : vector<1024x16xi32> to vector<1024xi32>
    %broadcast_in_dim3A_180 = vector.shape_cast %reduce_min3A_179 : vector<1024xi32> to vector<1024x1xi32>
    %eq3A_181 = vector.broadcast %broadcast_in_dim3A_180 : vector<1024x1xi32> to vector<1024x16xi32>
    %eq3A_182 = arith.cmpi eq, %concatenate3A_153, %eq3A_181 : vector<1024x16xi32>
    %jit3A_183 = arith.constant -3.000000e+38 : f32
    %broadcast_in_dim3A_184 = vector.broadcast %jit3A_183 : f32 to vector<1024x16xf32>
    %select_n3A_185 = arith.select %eq3A_182, %broadcast_in_dim3A_184, %select_n3A_169 : vector<1024x16xi1>, vector<1024x16xf32>
    %reduce_max3A_186 = arith.constant dense<0xFF800000> : vector<1024xf32>
    %reduce_max3A_187 = vector.multi_reduction <maximumf>, %select_n3A_185, %reduce_max3A_186 [1] : vector<1024x16xf32> to vector<1024xf32>
    %broadcast_in_dim3A_188 = vector.shape_cast %reduce_max3A_187 : vector<1024xf32> to vector<1024x1xf32>
    %ge3A_189 = vector.broadcast %broadcast_in_dim3A_188 : vector<1024x1xf32> to vector<1024x16xf32>
    %ge3A_190 = arith.cmpf oge, %select_n3A_185, %ge3A_189 : vector<1024x16xf32>
    %jit3A_191 = arith.constant 1073741824 : i32
    %broadcast_in_dim3A_192 = vector.broadcast %jit3A_191 : i32 to vector<1024x16xi32>
    %select_n3A_193 = arith.select %ge3A_190, %concatenate3A_153, %broadcast_in_dim3A_192 : vector<1024x16xi1>, vector<1024x16xi32>
    %reduce_min3A_194 = arith.constant dense<2147483647> : vector<1024xi32>
    %reduce_min3A_195 = vector.multi_reduction <minsi>, %select_n3A_193, %reduce_min3A_194 [1] : vector<1024x16xi32> to vector<1024xi32>
    %broadcast_in_dim3A_196 = vector.shape_cast %reduce_min3A_195 : vector<1024xi32> to vector<1024x1xi32>
    %eq3A_197 = vector.broadcast %broadcast_in_dim3A_196 : vector<1024x1xi32> to vector<1024x16xi32>
    %eq3A_198 = arith.cmpi eq, %concatenate3A_153, %eq3A_197 : vector<1024x16xi32>
    %jit3A_199 = arith.constant -3.000000e+38 : f32
    %broadcast_in_dim3A_200 = vector.broadcast %jit3A_199 : f32 to vector<1024x16xf32>
    %select_n3A_201 = arith.select %eq3A_198, %broadcast_in_dim3A_200, %select_n3A_185 : vector<1024x16xi1>, vector<1024x16xf32>
    %reduce_max3A_202 = arith.constant dense<0xFF800000> : vector<1024xf32>
    %reduce_max3A_203 = vector.multi_reduction <maximumf>, %select_n3A_201, %reduce_max3A_202 [1] : vector<1024x16xf32> to vector<1024xf32>
    %broadcast_in_dim3A_204 = vector.shape_cast %reduce_max3A_203 : vector<1024xf32> to vector<1024x1xf32>
    %ge3A_205 = vector.broadcast %broadcast_in_dim3A_204 : vector<1024x1xf32> to vector<1024x16xf32>
    %ge3A_206 = arith.cmpf oge, %select_n3A_201, %ge3A_205 : vector<1024x16xf32>
    %jit3A_207 = arith.constant 1073741824 : i32
    %broadcast_in_dim3A_208 = vector.broadcast %jit3A_207 : i32 to vector<1024x16xi32>
    %select_n3A_209 = arith.select %ge3A_206, %concatenate3A_153, %broadcast_in_dim3A_208 : vector<1024x16xi1>, vector<1024x16xi32>
    %reduce_min3A_210 = arith.constant dense<2147483647> : vector<1024xi32>
    %reduce_min3A_211 = vector.multi_reduction <minsi>, %select_n3A_209, %reduce_min3A_210 [1] : vector<1024x16xi32> to vector<1024xi32>
    %broadcast_in_dim3A_212 = vector.shape_cast %reduce_min3A_211 : vector<1024xi32> to vector<1024x1xi32>
    %eq3A_213 = vector.broadcast %broadcast_in_dim3A_212 : vector<1024x1xi32> to vector<1024x16xi32>
    %eq3A_214 = arith.cmpi eq, %concatenate3A_153, %eq3A_213 : vector<1024x16xi32>
    %jit3A_215 = arith.constant -3.000000e+38 : f32
    %broadcast_in_dim3A_216 = vector.broadcast %jit3A_215 : f32 to vector<1024x16xf32>
    %select_n3A_217 = arith.select %eq3A_214, %broadcast_in_dim3A_216, %select_n3A_201 : vector<1024x16xi1>, vector<1024x16xf32>
    %reduce_max3A_218 = arith.constant dense<0xFF800000> : vector<1024xf32>
    %reduce_max3A_219 = vector.multi_reduction <maximumf>, %select_n3A_217, %reduce_max3A_218 [1] : vector<1024x16xf32> to vector<1024xf32>
    %broadcast_in_dim3A_220 = vector.shape_cast %reduce_max3A_219 : vector<1024xf32> to vector<1024x1xf32>
    %ge3A_221 = vector.broadcast %broadcast_in_dim3A_220 : vector<1024x1xf32> to vector<1024x16xf32>
    %ge3A_222 = arith.cmpf oge, %select_n3A_217, %ge3A_221 : vector<1024x16xf32>
    %jit3A_223 = arith.constant 1073741824 : i32
    %broadcast_in_dim3A_224 = vector.broadcast %jit3A_223 : i32 to vector<1024x16xi32>
    %select_n3A_225 = arith.select %ge3A_222, %concatenate3A_153, %broadcast_in_dim3A_224 : vector<1024x16xi1>, vector<1024x16xi32>
    %reduce_min3A_226 = arith.constant dense<2147483647> : vector<1024xi32>
    %reduce_min3A_227 = vector.multi_reduction <minsi>, %select_n3A_225, %reduce_min3A_226 [1] : vector<1024x16xi32> to vector<1024xi32>
    %broadcast_in_dim3A_228 = vector.shape_cast %reduce_min3A_227 : vector<1024xi32> to vector<1024x1xi32>
    %eq3A_229 = vector.broadcast %broadcast_in_dim3A_228 : vector<1024x1xi32> to vector<1024x16xi32>
    %eq3A_230 = arith.cmpi eq, %concatenate3A_153, %eq3A_229 : vector<1024x16xi32>
    %jit3A_231 = arith.constant -3.000000e+38 : f32
    %broadcast_in_dim3A_232 = vector.broadcast %jit3A_231 : f32 to vector<1024x16xf32>
    %select_n3A_233 = arith.select %eq3A_230, %broadcast_in_dim3A_232, %select_n3A_217 : vector<1024x16xi1>, vector<1024x16xf32>
    %reduce_max3A_234 = arith.constant dense<0xFF800000> : vector<1024xf32>
    %reduce_max3A_235 = vector.multi_reduction <maximumf>, %select_n3A_233, %reduce_max3A_234 [1] : vector<1024x16xf32> to vector<1024xf32>
    %broadcast_in_dim3A_236 = vector.shape_cast %reduce_max3A_235 : vector<1024xf32> to vector<1024x1xf32>
    %ge3A_237 = vector.broadcast %broadcast_in_dim3A_236 : vector<1024x1xf32> to vector<1024x16xf32>
    %ge3A_238 = arith.cmpf oge, %select_n3A_233, %ge3A_237 : vector<1024x16xf32>
    %jit3A_239 = arith.constant 1073741824 : i32
    %broadcast_in_dim3A_240 = vector.broadcast %jit3A_239 : i32 to vector<1024x16xi32>
    %select_n3A_241 = arith.select %ge3A_238, %concatenate3A_153, %broadcast_in_dim3A_240 : vector<1024x16xi1>, vector<1024x16xi32>
    %reduce_min3A_242 = arith.constant dense<2147483647> : vector<1024xi32>
    %reduce_min3A_243 = vector.multi_reduction <minsi>, %select_n3A_241, %reduce_min3A_242 [1] : vector<1024x16xi32> to vector<1024xi32>
    %broadcast_in_dim3A_244 = vector.shape_cast %reduce_min3A_243 : vector<1024xi32> to vector<1024x1xi32>
    %eq3A_245 = vector.broadcast %broadcast_in_dim3A_244 : vector<1024x1xi32> to vector<1024x16xi32>
    %eq3A_246 = arith.cmpi eq, %concatenate3A_153, %eq3A_245 : vector<1024x16xi32>
    %jit3A_247 = arith.constant -3.000000e+38 : f32
    %broadcast_in_dim3A_248 = vector.broadcast %jit3A_247 : f32 to vector<1024x16xf32>
    %select_n3A_249 = arith.select %eq3A_246, %broadcast_in_dim3A_248, %select_n3A_233 : vector<1024x16xi1>, vector<1024x16xf32>
    %reduce_max3A_250 = arith.constant dense<0xFF800000> : vector<1024xf32>
    %reduce_max3A_251 = vector.multi_reduction <maximumf>, %select_n3A_249, %reduce_max3A_250 [1] : vector<1024x16xf32> to vector<1024xf32>
    %broadcast_in_dim3A_252 = vector.shape_cast %reduce_max3A_251 : vector<1024xf32> to vector<1024x1xf32>
    %ge3A_253 = vector.broadcast %broadcast_in_dim3A_252 : vector<1024x1xf32> to vector<1024x16xf32>
    %ge3A_254 = arith.cmpf oge, %select_n3A_249, %ge3A_253 : vector<1024x16xf32>
    %jit3A_255 = arith.constant 1073741824 : i32
    %broadcast_in_dim3A_256 = vector.broadcast %jit3A_255 : i32 to vector<1024x16xi32>
    %select_n3A_257 = arith.select %ge3A_254, %concatenate3A_153, %broadcast_in_dim3A_256 : vector<1024x16xi1>, vector<1024x16xi32>
    %reduce_min3A_258 = arith.constant dense<2147483647> : vector<1024xi32>
    %reduce_min3A_259 = vector.multi_reduction <minsi>, %select_n3A_257, %reduce_min3A_258 [1] : vector<1024x16xi32> to vector<1024xi32>
    %broadcast_in_dim3A_260 = vector.shape_cast %reduce_min3A_259 : vector<1024xi32> to vector<1024x1xi32>
    %eq3A_261 = vector.broadcast %broadcast_in_dim3A_260 : vector<1024x1xi32> to vector<1024x16xi32>
    %eq3A_262 = arith.cmpi eq, %concatenate3A_153, %eq3A_261 : vector<1024x16xi32>
    %jit3A_263 = arith.constant -3.000000e+38 : f32
    %broadcast_in_dim3A_264 = vector.broadcast %jit3A_263 : f32 to vector<1024x16xf32>
    %select_n3A_265 = arith.select %eq3A_262, %broadcast_in_dim3A_264, %select_n3A_249 : vector<1024x16xi1>, vector<1024x16xf32>
    %reduce_max3A_266 = arith.constant dense<0xFF800000> : vector<1024xf32>
    %reduce_max3A_267 = vector.multi_reduction <maximumf>, %select_n3A_265, %reduce_max3A_266 [1] : vector<1024x16xf32> to vector<1024xf32>
    %broadcast_in_dim3A_268 = vector.shape_cast %reduce_max3A_267 : vector<1024xf32> to vector<1024x1xf32>
    %ge3A_269 = vector.broadcast %broadcast_in_dim3A_268 : vector<1024x1xf32> to vector<1024x16xf32>
    %ge3A_270 = arith.cmpf oge, %select_n3A_265, %ge3A_269 : vector<1024x16xf32>
    %jit3A_271 = arith.constant 1073741824 : i32
    %broadcast_in_dim3A_272 = vector.broadcast %jit3A_271 : i32 to vector<1024x16xi32>
    %select_n3A_273 = arith.select %ge3A_270, %concatenate3A_153, %broadcast_in_dim3A_272 : vector<1024x16xi1>, vector<1024x16xi32>
    %reduce_min3A_274 = arith.constant dense<2147483647> : vector<1024xi32>
    %reduce_min3A_275 = vector.multi_reduction <minsi>, %select_n3A_273, %reduce_min3A_274 [1] : vector<1024x16xi32> to vector<1024xi32>
    %broadcast_in_dim3A_276 = vector.shape_cast %reduce_min3A_275 : vector<1024xi32> to vector<1024x1xi32>
    %concatenate3A_277 = tpu.concatenate %broadcast_in_dim3A_156, %broadcast_in_dim3A_172, %broadcast_in_dim3A_188, %broadcast_in_dim3A_204, %broadcast_in_dim3A_220, %broadcast_in_dim3A_236, %broadcast_in_dim3A_252, %broadcast_in_dim3A_268 in 1 : vector<1024x1xf32>, vector<1024x1xf32>, vector<1024x1xf32>, vector<1024x1xf32>, vector<1024x1xf32>, vector<1024x1xf32>, vector<1024x1xf32>, vector<1024x1xf32> -> vector<1024x8xf32>
    %concatenate3A_278 = tpu.concatenate %broadcast_in_dim3A_164, %broadcast_in_dim3A_180, %broadcast_in_dim3A_196, %broadcast_in_dim3A_212, %broadcast_in_dim3A_228, %broadcast_in_dim3A_244, %broadcast_in_dim3A_260, %broadcast_in_dim3A_276 in 1 : vector<1024x1xi32>, vector<1024x1xi32>, vector<1024x1xi32>, vector<1024x1xi32>, vector<1024x1xi32>, vector<1024x1xi32>, vector<1024x1xi32>, vector<1024x1xi32> -> vector<1024x8xi32>
    %swap3A = arith.constant 0 : index
    %swap3A_279 = arith.constant 0 : index
    %swap3A_280 = vector.load %arg8[%swap3A, %swap3A_279] : memref<1024x8xf32, #tpu.memory_space<vmem>>, vector<1024x8xf32>
    tpu.vector_store %arg8[%swap3A, %swap3A_279], %concatenate3A_277 {strides = array<i32>} : memref<1024x8xf32, #tpu.memory_space<vmem>>, vector<1024x8xf32>,
    %swap3A_281 = arith.constant 0 : index
    %swap3A_282 = arith.constant 0 : index
    %swap3A_283 = vector.load %arg9[%swap3A_281, %swap3A_282] : memref<1024x8xi32, #tpu.memory_space<vmem>>, vector<1024x8xi32>
    tpu.vector_store %arg9[%swap3A_281, %swap3A_282], %concatenate3A_278 {strides = array<i32>} : memref<1024x8xi32, #tpu.memory_space<vmem>>, vector<1024x8xi32>,
    %eq3A_284 = arith.constant 48 : i32
    %eq3A_285 = arith.cmpi eq, %arg0, %eq3A_284 : i32
    %convert_element_type3A_286 = arith.extui %eq3A_285 : i1 to i32
    %cond3A_287 = arith.constant 0 : i32
    %cond3A_288 = arith.cmpi ne, %convert_element_type3A_286, %cond3A_287 : i32
    scf.if %cond3A_288 {
      %swap3A_289 = arith.constant 0 : index
      %swap3A_290 = arith.constant 0 : index
      %swap3A_291 = vector.load %arg6[%swap3A_289, %swap3A_290] : memref<1024x8xi32, #tpu.memory_space<vmem>>, vector<1024x8xi32>
      tpu.vector_store %arg6[%swap3A_289, %swap3A_290], %concatenate3A_278 {strides = array<i32>} : memref<1024x8xi32, #tpu.memory_space<vmem>>, vector<1024x8xi32>,
    } else {
    }
    return
  }
  func.func @transform_0(%arg0: i32) -> (i32, i32) {
    %c0_i32 = arith.constant 0 : i32
    %c0_i32_0 = arith.constant 0 : i32
    %c0_i32_1 = arith.constant 0 : i32
    return %c0_i32, %c0_i32_0 : i32, i32
  }
  func.func @transform_1(%arg0: i32) -> (i32, i32) {
    %c0_i32 = arith.constant 0 : i32
    %c0_i32_0 = arith.constant 0 : i32
    %c0_i32_1 = arith.constant 0 : i32
    return %c0_i32, %c0_i32_0 : i32, i32
  }
  func.func @transform_2(%arg0: i32) -> (i32, i32) {
    %c0_i32 = arith.constant 0 : i32
    %c0_i32_0 = arith.constant 0 : i32
    %c0_i32_1 = arith.constant 0 : i32
    return %c0_i32, %c0_i32_0 : i32, i32
  }
  func.func @transform_3(%arg0: i32) -> (i32, i32) {
    %c0_i32 = arith.constant 0 : i32
    %c0_i32_0 = arith.constant 0 : i32
    return %arg0, %c0_i32 : i32, i32
  }
  func.func @transform_4(%arg0: i32) -> (i32, i32, i32) {
    %c0_i32 = arith.constant 0 : i32
    %c0_i32_0 = arith.constant 0 : i32
    %c0_i32_1 = arith.constant 0 : i32
    return %arg0, %c0_i32, %c0_i32_0 : i32, i32, i32
  }
  func.func @transform_5(%arg0: i32) -> (i32, i32) {
    %c0_i32 = arith.constant 0 : i32
    %c0_i32_0 = arith.constant 0 : i32
    %c0_i32_1 = arith.constant 0 : i32
    return %c0_i32, %c0_i32_0 : i32, i32
  }
}

module attributes {stable_mosaic.version = 14 : i64} {
  func.func @_attn_body(%arg0: i32, %arg1: memref<256x8x128xf32, #tpu.memory_space<vmem>>, %arg2: memref<1x128xf32, #tpu.memory_space<vmem>>, %arg3: memref<1x1xf32, #tpu.memory_space<vmem>>, %arg4: memref<1x8xf32, #tpu.memory_space<vmem>>, %arg5: memref<128x128xf32, #tpu.memory_space<vmem>>, %arg6: memref<1x128xf32, #tpu.memory_space<vmem>>, %arg7: memref<256x128xf32, #tpu.memory_space<vmem>>) attributes {dimension_semantics = [#tpu.dimension_semantics<arbitrary>], iteration_bounds = array<i64: 4>, scalar_prefetch = 0 : i64, scratch_operands = 0 : i64, tpu.core_type = #tpu.core_type<tc>, window_params = [{transform_indices = @transform_0, window_bounds = array<i64: 256, 8, 128>}, {pipeline_mode = #tpu.pipeline_mode<synchronous>, transform_indices = @transform_1, window_bounds = array<i64: 1, 128>}, {pipeline_mode = #tpu.pipeline_mode<synchronous>, transform_indices = @transform_2, window_bounds = array<i64: 1, 1>}, {pipeline_mode = #tpu.pipeline_mode<synchronous>, transform_indices = @transform_3, window_bounds = array<i64: 1, 8>}, {pipeline_mode = #tpu.pipeline_mode<synchronous>, transform_indices = @transform_4, window_bounds = array<i64: 128, 128>}, {pipeline_mode = #tpu.pipeline_mode<synchronous>, transform_indices = @transform_5, window_bounds = array<i64: 1, 128>}, {transform_indices = @transform_6, window_bounds = array<i64: 256, 128>}]} {
    %get3A = arith.constant 0 : index
    %get3A_0 = arith.constant 0 : index
    %get3A_1 = arith.constant 0 : index
    %get3A_2 = vector.load %arg1[%get3A, %get3A_0, %get3A_1] : memref<256x8x128xf32, #tpu.memory_space<vmem>>, vector<256x8x128xf32>
    %get3A_3 = arith.constant 0 : index
    %get3A_4 = arith.constant 0 : index
    %get3A_5 = vector.load %arg2[%get3A_3, %get3A_4] : memref<1x128xf32, #tpu.memory_space<vmem>>, vector<1x128xf32>
    %broadcast_in_dim3A = vector.shape_cast %get3A_5 : vector<1x128xf32> to vector<1x1x128xf32>
    %mul3A = vector.broadcast %broadcast_in_dim3A : vector<1x1x128xf32> to vector<256x8x128xf32>
    %mul3A_6 = arith.mulf %get3A_2, %mul3A : vector<256x8x128xf32>
    %reduce_sum3A = arith.constant dense<0.000000e+00> : vector<256x8xf32>
    %reduce_sum3A_7 = vector.multi_reduction <add>, %mul3A_6, %reduce_sum3A [2] : vector<256x8x128xf32> to vector<256x8xf32>
    %get3A_8 = arith.constant 0 : index
    %get3A_9 = arith.constant 0 : index
    %get3A_10 = vector.load %arg3[%get3A_8, %get3A_9] : memref<1x1xf32, #tpu.memory_space<vmem>>, vector<1x1xf32>
    %add3A = vector.broadcast %get3A_10 : vector<1x1xf32> to vector<256x8xf32>
    %add3A_11 = arith.addf %reduce_sum3A_7, %add3A : vector<256x8xf32>
    %get3A_12 = arith.constant 0 : index
    %get3A_13 = arith.constant 0 : index
    %get3A_14 = vector.load %arg4[%get3A_12, %get3A_13] : memref<1x8xf32, #tpu.memory_space<vmem>>, vector<1x8xf32>
    %add3A_15 = vector.broadcast %get3A_14 : vector<1x8xf32> to vector<256x8xf32>
    %add3A_16 = arith.addf %add3A_11, %add3A_15 : vector<256x8xf32>
    %reduce_max3A = arith.constant dense<0xFF800000> : vector<256xf32>
    %reduce_max3A_17 = vector.multi_reduction <maximumf>, %add3A_16, %reduce_max3A [1] : vector<256x8xf32> to vector<256xf32>
    %broadcast_in_dim3A_18 = vector.shape_cast %reduce_max3A_17 : vector<256xf32> to vector<256x1xf32>
    %sub3A = vector.broadcast %broadcast_in_dim3A_18 : vector<256x1xf32> to vector<256x8xf32>
    %sub3A_19 = arith.subf %add3A_16, %sub3A : vector<256x8xf32>
    %exp3A = math.exp %sub3A_19 : vector<256x8xf32>
    %reduce_sum3A_20 = arith.constant dense<0.000000e+00> : vector<256xf32>
    %reduce_sum3A_21 = vector.multi_reduction <add>, %exp3A, %reduce_sum3A_20 [1] : vector<256x8xf32> to vector<256xf32>
    %broadcast_in_dim3A_22 = vector.shape_cast %reduce_sum3A_21 : vector<256xf32> to vector<256x1xf32>
    %div3A = vector.broadcast %broadcast_in_dim3A_22 : vector<256x1xf32> to vector<256x8xf32>
    %div3A_23 = arith.divf %exp3A, %div3A : vector<256x8xf32>
    %broadcast_in_dim3A_24 = vector.shape_cast %div3A_23 : vector<256x8xf32> to vector<256x8x1xf32>
    %mul3A_25 = vector.broadcast %broadcast_in_dim3A_24 : vector<256x8x1xf32> to vector<256x8x128xf32>
    %mul3A_26 = arith.mulf %get3A_2, %mul3A_25 : vector<256x8x128xf32>
    %reduce_sum3A_27 = arith.constant dense<0.000000e+00> : vector<256x128xf32>
    %reduce_sum3A_28 = vector.multi_reduction <add>, %mul3A_26, %reduce_sum3A_27 [1] : vector<256x8x128xf32> to vector<256x128xf32>
    %get3A_29 = arith.constant 0 : index
    %get3A_30 = arith.constant 0 : index
    %get3A_31 = vector.load %arg5[%get3A_29, %get3A_30] : memref<128x128xf32, #tpu.memory_space<vmem>>, vector<128x128xf32>
    %dot_general3A = arith.constant dense<0.000000e+00> : vector<256x128xf32>
    %dot_general3A_32 = tpu.matmul %reduce_sum3A_28, %get3A_31, %dot_general3A {dimension_numbers = #tpu.dot_dimension_numbers<[1], [0], [0], [1], [0, 0, 1, 1], [], []>, transpose_lhs_hint = false} : vector<256x128xf32>, vector<128x128xf32>, vector<256x128xf32> -> vector<256x128xf32>
    %get3A_33 = arith.constant 0 : index
    %get3A_34 = arith.constant 0 : index
    %get3A_35 = vector.load %arg6[%get3A_33, %get3A_34] : memref<1x128xf32, #tpu.memory_space<vmem>>, vector<1x128xf32>
    %add3A_36 = vector.broadcast %get3A_35 : vector<1x128xf32> to vector<256x128xf32>
    %add3A_37 = arith.addf %dot_general3A_32, %add3A_36 : vector<256x128xf32>
    %swap3A = arith.constant 0 : index
    %swap3A_38 = arith.constant 0 : index
    %swap3A_39 = vector.load %arg7[%swap3A, %swap3A_38] : memref<256x128xf32, #tpu.memory_space<vmem>>, vector<256x128xf32>
    tpu.vector_store %arg7[%swap3A, %swap3A_38], %add3A_37 {strides = array<i32>} : memref<256x128xf32, #tpu.memory_space<vmem>>, vector<256x128xf32>,
    return
  }
  func.func @transform_0(%arg0: i32) -> (i32, i32, i32) {
    %c0_i32 = arith.constant 0 : i32
    %c0_i32_0 = arith.constant 0 : i32
    %c0_i32_1 = arith.constant 0 : i32
    return %arg0, %c0_i32, %c0_i32_0 : i32, i32, i32
  }
  func.func @transform_1(%arg0: i32) -> (i32, i32) {
    %c0_i32 = arith.constant 0 : i32
    %c0_i32_0 = arith.constant 0 : i32
    %c0_i32_1 = arith.constant 0 : i32
    return %c0_i32, %c0_i32_0 : i32, i32
  }
  func.func @transform_2(%arg0: i32) -> (i32, i32) {
    %c0_i32 = arith.constant 0 : i32
    %c0_i32_0 = arith.constant 0 : i32
    %c0_i32_1 = arith.constant 0 : i32
    return %c0_i32, %c0_i32_0 : i32, i32
  }
  func.func @transform_3(%arg0: i32) -> (i32, i32) {
    %c0_i32 = arith.constant 0 : i32
    %c0_i32_0 = arith.constant 0 : i32
    %c0_i32_1 = arith.constant 0 : i32
    return %c0_i32, %c0_i32_0 : i32, i32
  }
  func.func @transform_4(%arg0: i32) -> (i32, i32) {
    %c0_i32 = arith.constant 0 : i32
    %c0_i32_0 = arith.constant 0 : i32
    %c0_i32_1 = arith.constant 0 : i32
    return %c0_i32, %c0_i32_0 : i32, i32
  }
  func.func @transform_5(%arg0: i32) -> (i32, i32) {
    %c0_i32 = arith.constant 0 : i32
    %c0_i32_0 = arith.constant 0 : i32
    %c0_i32_1 = arith.constant 0 : i32
    return %c0_i32, %c0_i32_0 : i32, i32
  }
  func.func @transform_6(%arg0: i32) -> (i32, i32) {
    %c0_i32 = arith.constant 0 : i32
    %c0_i32_0 = arith.constant 0 : i32
    return %arg0, %c0_i32 : i32, i32
  }
}

</mosaic_0001>

<sc_bundles>
// kernel: kernel.5.cloned.1.call-start
scs
__scs_entry_jumppad:
0x0: {  	(pc) =	sbr.rel $0x88, $3  }
0x1: {  	(tag) =	ssettag $0x0;
	lr =	simm.s32 $0x1  }
0x2: {  	[smem:$0x3F96] =	sst lr;
	_ =	strace $0xD0000000  }
0x3: {  	_ = 	snop  }
0x4: {  	_ = 	snop  }
0x5: {  	_ = 	snop  }
0x6: {  	_ = 	snop  }
0x7: {  	_ = 	snop  }
__scs_overlays_trampoline_lowered:
0x8: {  	[smem:$0x3FA5] =	sst s0  }
0x9: {  	[smem:$0x3FA6] =	sst s1  }
0xa: {  	[smem:$0x3FA7] =	sst s2  }
0xb: {  	[smem:$0x3FA8] =	sst s3  }
0xc: {  	[smem:$0x3FA9] =	sst s4  }
0xd: {  	[smem:$0x3FAA] =	sst s5  }
0xe: {  	[smem:$0x3FAB] =	sst s6  }
0xf: {  	[smem:$0x3FAC] =	sst s7  }
0x10: {  	[smem:$0x3FAD] =	sst s8  }
0x11: {  	[smem:$0x3FAE] =	sst s9;
	s0 =	simm.s32 @!p0 $0x0  }
0x12: {  	s1 =	sld [smem:$0x3F94];
	s0 =	simm.s32 @p0 $0x1  }
0x13: {  	[smem:$0x3FAF] =	sst s0;
	s0 =	simm.s32 @!p1 $0x0  }
0x14: {  	s2 =	sld [smem:$0x3F93];
	s0 =	simm.s32 @p1 $0x1  }
0x15: {  	[smem:$0x3FB0] =	sst s0;
	s0 =	simm.s32 @!p2 $0x0  }
0x16: {  	s3 =	sld [smem:$0x3FDB];
	s0 =	simm.s32 @p2 $0x1  }
0x17: {  	s4 =	simm.s32 $0x1BF5;
	[smem:$0x3FB2] =	sst s0  }
0x18: {  	s0 =	sld [smem:$0x3F95];
	_ =	swait.ge [sflag:s4], $0x0  }
0x19: {  	s7 =	sld [smem:$0x3F96]  }
0x1a: {  	s8 =	sadd.s32 $0xFFFFE003, lr  }
0x1b: {  	s9 =	sadd.s32 $0xFFFFFEF7, lr;
	s5 =	simm.s32 $0xFFFFFFFF;
	p2 =	slt.u32 s8, $0xFFFFF086  }
0x1c: {  	p1 =	slt.u32 s9, $0xF7A;
	s5 =	simm.s32 @!p2 $0x0  }
0x1d: {  	s5 =	simm.s32 @p1 $0x1;
	p0 =	seq.s32 s7, s2  }
0x1e: {  	s7 =	smul.u32 @!p0 $0xF7A, s2;
	p2 =	seq.s32 @!p0 s5, $0x0  }
0x1f: {  	s9 =	smul.u32 $0xF7A, s1;
	s8 =	simm.s32 @!p0 $0x1BF5;
	p2 =	por !p2, p0  }
0x20: {  	[sflag:s8] =	ssyncset.s32 @!p0 $0xFFFFF086;
	s6 =	sadd.s32 @!p0 s3, s7;
	s7 =	simm.s32 @!p0 $0x108  }
0x21: {  	s3 =	sadd.s32 s3, s9;
	s6 =	sadd.s32 @!p0 $0x88, s6;
	s7 =	simm.s32 @p2 $0x1082  }
0x22: {  	[simem:s7], [sflag:s8] =	dma.local @!p0 [hbm:s6], $0xF7A  }
0x23: {  	s9 =	sor.u32 $0xD0000000, s2;
	s6 =	simm.s32 $0x108;
	_ =	swait.ge @!p0 [sflag:s8], $0x0  }
0x24: {  	s3 =	sadd.s32 $0x88, s3;
	s6 =	simm.s32 @!p1 $0x1082;
	[sflag:s4] =	ssyncset.s32 $0xFFFFF086  }
0x25: {  	[simem:s6], [sflag:s4] =	dma.local [hbm:s3], $0xF7A  }
0x26: {  	[smem:$0x3F96] =	sst s1;
	(tag) =	ssettag s2;
	_ =	strace s9  }
0x27: {  	s1 =	sld [smem:$0x3FA6]  }
0x28: {  	s2 =	sld [smem:$0x3FA7]  }
0x29: {  	s4 =	sld [smem:$0x3FA9]  }
0x2a: {  	p0 =	seq.s32 s5, $0x0;
	s5 =	sld [smem:$0x3FAA]  }
0x2b: {  	s6 =	sld [smem:$0x3FAB]  }
0x2c: {  	s7 =	sld [smem:$0x3FAC]  }
0x2d: {  	s3 =	simm.s32 $0x108;
	s8 =	sld [smem:$0x3FAD]  }
0x2e: {  	s3 =	simm.s32 @!p0 $0x1082;
	s9 =	sld [smem:$0x3FAE]  }
0x2f: {  	lr =	sadd.s32 s0, s3;
	s0 =	sld [smem:$0x3FA5]  }
0x30: {  	s3 =	sld [smem:$0x3FA8]  }
0x31: {  	[smem:$0x3FB1] =	sst s10  }
0x32: {  	s10 =	sld [smem:$0x3FAF];
	_ =	sdelay $0x3  }
0x33: {  	p0 =	seq.s32 s10, $0x1;
	s10 =	sld [smem:$0x3FB1];
	_ =	sdelay $0x3  }
0x34: {  	[smem:$0x3FB1] =	sst s10  }
0x35: {  	s10 =	sld [smem:$0x3FB0];
	_ =	sdelay $0x3  }
0x36: {  	p1 =	seq.s32 s10, $0x1;
	s10 =	sld [smem:$0x3FB1];
	_ =	sdelay $0x3  }
0x37: {  	[smem:$0x3FB1] =	sst s10  }
0x38: {  	s10 =	sld [smem:$0x3FB2]  }
0x39: {  	_ = 	snop;
	(pc) =	sbr.ind lr, $3  }
0x3a: {  	_ = 	snop  }
0x3b: {  	_ = 	snop  }
0x3c: {  	p2 =	seq.s32 s10, $0x1;
	s10 =	sld [smem:$0x3FB1]  }
0x3d: {  	_ =	shalt  }
0x3e: {  	_ =	shalt  }
0x3f: {  	_ =	shalt  }
0x40: {  	_ =	shalt  }
0x41: {  	_ =	shalt  }
0x42: {  	_ =	shalt  }
0x43: {  	_ =	shalt  }
0x44: {  	_ =	shalt  }
0x45: {  	_ =	shalt  }
0x46: {  	_ =	shalt  }
0x47: {  	_ =	shalt  }
0x48: {  	_ =	shalt  }
0x49: {  	_ =	shalt  }
0x4a: {  	_ =	shalt  }
0x4b: {  	_ =	shalt  }
0x4c: {  	_ =	shalt  }
0x4d: {  	_ =	shalt  }
0x4e: {  	_ =	shalt  }
0x4f: {  	_ =	shalt  }
0x50: {  	_ =	shalt  }
0x51: {  	_ =	shalt  }
0x52: {  	_ =	shalt  }
0x53: {  	_ =	shalt  }
0x54: {  	_ =	shalt  }
0x55: {  	_ =	shalt  }
0x56: {  	_ =	shalt  }
0x57: {  	_ =	shalt  }
0x58: {  	_ =	shalt  }
0x59: {  	_ =	shalt  }
0x5a: {  	_ =	shalt  }
0x5b: {  	_ =	shalt  }
0x5c: {  	_ =	shalt  }
0x5d: {  	_ =	shalt  }
0x5e: {  	_ =	shalt  }
0x5f: {  	_ =	shalt  }
0x60: {  	_ =	shalt  }
0x61: {  	_ =	shalt  }
0x62: {  	_ =	shalt  }
0x63: {  	_ =	shalt  }
0x64: {  	_ =	shalt  }
0x65: {  	_ =	shalt  }
0x66: {  	_ =	shalt  }
0x67: {  	_ =	shalt  }
0x68: {  	_ =	shalt  }
0x69: {  	_ =	shalt  }
0x6a: {  	_ =	shalt  }
0x6b: {  	_ =	shalt  }
0x6c: {  	_ =	shalt  }
0x6d: {  	_ =	shalt  }
0x6e: {  	_ =	shalt  }
0x6f: {  	_ =	shalt  }
0x70: {  	_ =	shalt  }
0x71: {  	_ =	shalt  }
0x72: {  	_ =	shalt  }
0x73: {  	_ =	shalt  }
0x74: {  	_ =	shalt  }
0x75: {  	_ =	shalt  }
0x76: {  	_ =	shalt  }
0x77: {  	_ =	shalt  }
0x78: {  	_ =	shalt  }
0x79: {  	_ =	shalt  }
0x7a: {  	_ =	shalt  }
0x7b: {  	_ =	shalt  }
0x7c: {  	_ =	shalt  }
0x7d: {  	_ =	shalt  }
0x7e: {  	_ =	shalt  }
0x7f: {  	_ =	shalt  }
0x80: {  	_ =	shalt  }
0x81: {  	_ =	shalt  }
0x82: {  	_ =	shalt  }
0x83: {  	_ =	shalt  }
0x84: {  	_ =	shalt  }
0x85: {  	_ =	shalt  }
0x86: {  	_ =	shalt  }
0x87: {  	_ =	shalt  }
.Lfunc_end0:
.L_simem_size_0:
called_computation_lowered:
.L_overlay_start_0:
0x88: {  	s2 =	sld [smem:$0x3FD9]  }
0x89: {  	s3 =	sld [smem:$0x3FFE];
	_ =	sdelay $0x1  }
0x8a: {  	s1 =	srdreg.scid  }
0x8b: {  	s0 =	sand.u32 $0x1, s1  }
0x8c: {  	s17 =	sshll.u32 s0, $0xA;
	s2 =	sadd.s32 s3, s2  }
0x8d: {  	s2 =	sadd.s32 s2, s17  }
0x8e: {  	[smem:$0x3FBD] =	sst s2  }
0x8f: {  	_ = 	snop  }
0x90: {  	s2 =	sld [smem:$0x3FC7]  }
0x91: {  	s18 =	sld [smem:$0x3FD0];
	(tm) =	ssettm $0x1  }
0x92: {  	s4 =	sld [smem:$0x3FFB];
	_ =	sdelay $0x3  }
0x93: {  	_ =	strace s4  }
0x94: {  	s4 =	sld [smem:$0x3FFC];
	_ =	sdelay $0x3  }
0x95: {  	_ =	strace s4  }
0x96: {  	s4 =	sld [smem:$0x3FFD];
	_ =	sdelay $0x3  }
0x97: {  	_ =	strace s4  }
0x98: {  	_ =	strace $0x8FFFFFFF  }
0x99: {  	s19 =	sld [smem:$0x3FDB];
	_ =	sdelay $0x1  }
0x9a: {  	s5 =	simm.s32 $_scs_section_size  }
0x9b: {  	s6 =	simm.s32 $_size__tile_overlayer_lowered;
	s7 =	simm.s32 $_tile_overlayer_lowered  }
0x9c: {  	s22 =	simm.s32 $0x1BFF;
	s21 =	sshll.u32 s7, $0x1;
	s4 =	sadd.s32 s5, s19  }
0x9d: {  	s8 =	simm.s32 $0x0;
	s20 =	sshll.u32 s6, $0x1;
	s6 =	sadd.s32 s21, s4  }
0x9e: {  	[timem:s8], [sflag:s22] =	dma.local [hbm:s6], s20  }
0x9f: {  	_ =	swait.ge [sflag:s22], s20  }
0xa0: {  	s5 =	ssub.s32 $0x0, s20;
	[sflag:s22] =	ssyncset.done $0x0  }
0xa1: {  	[sflag:s22] =	ssyncadd.s32 s5;
	_ =	sdelay $0x1  }
0xa2: {  	s23 =	simm.s32 $0x1B8B  }
0xa3: {  	_ =	swait.ge [sflag:s23], $0x1  }
0xa4: {  	[sflag:s23] =	ssyncset.done $0x0  }
0xa5: {  	s25 =	simm.s32 $0x1B8E;
	s24 =	sld [smem:$0x3FFE];
	[sflag:s23] =	ssyncadd.s32 $0xFFFFFFFF  }
0xa6: {  	s26 =	simm.s32 $execute0_lowered;
	[smem:$0x3FD2] =	sst s25  }
0xa7: {  	s6 =	sshll.u32 s26, $0x1;
	_ =	strace $0x80000046;
	[dreg:$0x1] =	wrdreg $0xFFFFFFFF  }
0xa8: {  	s28 =	simm.s32 $_size_execute0_lowered;
	s4 =	sadd.s32 s4, s6;
	[dreg:$0x0] =	wrdreg $0x0  }
0xa9: {  	s6 =	sshll.u32 s28, $0x1;
	[dreg:$0x2] =	wrdreg s4  }
0xaa: {  	[dreg:$0x3] =	wrdreg s6  }
0xab: {  	[dreg:$0x4] =	wrdreg $0xC0  }
0xac: {  	_ =	task [dreg:s8], $0x5FFFF  }
0xad: {  	[dreg:$0x1] =	wrdreg $0xFFFFFFFF  }
0xae: {  	[dreg:$0x0] =	wrdreg $0x60  }
0xaf: {  	[dreg:$0x2] =	wrdreg s2  }
0xb0: {  	[dreg:$0x3] =	wrdreg s18  }
0xb1: {  	[dreg:$0x4] =	wrdreg s24  }
0xb2: {  	[dreg:$0x5] =	wrdreg $0x9  }
0xb3: {  	_ =	task.clear_ibuf [dreg:s8], $0x6FFFF;
	_ =	strace $0x90000046  }
0xb4: {  	s29 =	simm.s32 $0x9;
	_ =	strace $0x80000048  }
0xb5: {  	_ =	swait.ge [sflag:s29], $0x1  }
0xb6: {  	[sflag:s29] =	ssyncadd.s32 $0xFFFFFFFF  }
0xb7: {  	_ =	strace $0x90000048  }
0xb8: {  	_ =	sfence  }
0xb9: {  	s30 =	sld [smem:$0x0];
	_ =	sdelay $0x2  }
0xba: {  	s31 =	sshll.u32 s1, $0xD;
	s1 =	sshrl.u32 s1, $0x2  }
0xbb: {  	s3 =	sand.u32 $0x4000, s31;
	s1 =	sadd.s32 s1, s30  }
0xbc: {  	s0 =	sor.u32 s3, s0;
	s1 =	sshll.u32 s1, $0x11  }
0xbd: {  	s0 =	sor.u32 s1, s0  }
0xbe: {  	s0 =	sadd.s32 $0x8F2B, s0  }
0xbf: {  	[sflag:s0] =	ssyncadd.remote.s32 $0x1  }
0xc0: {  	_ =	sfence.sel $0xFFFF  }
0xc1: {  	[dreg:$0x0] =	wrdreg $0xFFFFFFFF;
	(pc) =	sbr.abs _section_cstart, $3  }
0xc2: {  	[dreg:$0x1] =	wrdreg $0xFFFFFFFF  }
0xc3: {  	_ =	task.clear_ibuf [dreg:s8], $0x2FFFF;
	_ =	strace $0x9FFFFFFF  }
0xc4: {  	(tm) =	ssettm $0x7FFFFFFF  }
0xc5: {  	_ =	shalt  }
tec
execute0_lowered:
.L_overlay_start_1:
0x0: {  	(tag) =	ssettag $0x1  }
0x1: {  	s1 =	rddreg [dreg:$0x0];
	s2 =	srdreg.scid  }
0x2: {  	s9 =	rddreg [dreg:$0x1];
	s0 =	stileid.u32;
	s10 =	sand.u32 $0x1, s2  }
0x3: {  	s8 =	rddreg [dreg:$0x2];
	s4 =	sshll.u32 s0, $0x9;
	s5 =	sshll.u32 s10, $0x8  }
0x4: {  	s3 =	simm.s32 $0x0;
	s2 =	rddreg [dreg:$0x3];
	s11 =	sor.u32 s5, s4  }
0x5: {  	[smem:$0x7FF] =	sst s3;
	s4 =	sshrl.u32 s11, $0x3  }
0x6: {  	_ =	strace $0x80000047;
	s5 =	sadd.s32 s9, s4;
	s4 =	simm.s32 $0x2  }
0x7: {  	[tilespmem:s3], [sflag:$0x2] =	stream.linear.gather [hbm4b:s5+s3], $0x80, $0x38;
	[tilespmem:$0x4080] =	vst v63  }
0x8: {  	_ =	swait.ge [sflag:s4], $0x80  }
0x9: {  	[sflag:s4] =	ssyncset.done $0x0  }
0xa: {  	s6 =	simm.s32 $0x80;
	s7 =	simm.s32 $0x1;
	[sflag:s4] =	ssyncadd.s32 $0xFFFFFF80  }
0xb: {  	[tilespmem:s6], [sflag:$0x1] =	stream.indirect.gather [hbm4b:s1+s6], $0x80, s3, s6, $0xb8;
	[tilespmem:$0x4080] =	vst v63  }
0xc: {  	_ =	swait.ge [sflag:s7], $0x4000  }
0xd: {  	s12 =	sadd.s32 $0x1200, s8;
	s28 =	sshll.u32 s11, $0x4;
	[sflag:s7] =	ssyncset.done $0x0  }
0xe: {  	s8 =	sadd.s32 s12, s28;
	[sflag:s7] =	ssyncadd.s32 $0xFFFFC000  }
0xf: {  	[hbm4b:s8+s3] =	stream.linear.scatter [tilespmem:s6], [sflag:$0x2], $0x4000, $0x38;
	[tilespmem:$0x4080] =	vst v63  }
0x10: {  	s11 =	sor.u32 $0x80, s11;
	_ =	swait.ge [sflag:s4], $0x4000  }
0x11: {  	s13 =	sshrl.u32 s11, $0x3;
	[sflag:s4] =	ssyncset.done $0x0  }
0x12: {  	s10 =	ssub.s32 $0x2, s10;
	s9 =	sadd.s32 s9, s13;
	[sflag:s4] =	ssyncadd.s32 $0xFFFFC000  }
0x13: {  	[tilespmem:s3], [sflag:$0x2] =	stream.linear.gather [hbm4b:s9+s3], $0x80, $0x38;
	[tilespmem:$0x4080] =	vst v63  }
0x14: {  	s29 =	sshrl.u32 s10, $0x1;
	_ =	swait.ge [sflag:s4], $0x80  }
0x15: {  	s13 =	ssub.s32 s10, s29;
	[sflag:s4] =	ssyncset.done $0x0  }
0x16: {  	s31 =	smax.u32 s13, $0x1;
	[sflag:s4] =	ssyncadd.s32 $0xFFFFFF80  }
0x17: {  	[tilespmem:s6], [sflag:$0x1] =	stream.indirect.gather [hbm4b:s1+s6], $0x80, s3, s6, $0xb8;
	[tilespmem:$0x4080] =	vst v63  }
0x18: {  	p0 =	sne.s32 s31, $0x1;
	_ =	swait.ge [sflag:s7], $0x4000  }
.Ltmp0:
0x19: {  	s30 =	sshll.u32 s11, $0x4;
	[sflag:s7] =	ssyncset.done $0x0;
	(pc) =	sbr.rel @!p0 .LBB2_2-.Ltmp0, $4  }
0x1a: {  	s10 =	sadd.s32 s12, s30;
	[sflag:s7] =	ssyncadd.s32 $0xFFFFC000  }
0x1b: {  	[hbm4b:s10+s3] =	stream.linear.scatter [tilespmem:s6], [sflag:$0x2], $0x4000, $0x38;
	[tilespmem:$0x4080] =	vst v63  }
0x1c: {  	_ =	swait.ge [sflag:s4], $0x4000  }
0x1d: {  	s11 =	sadd.s32 $0xFFFFFFFF, s31;
	[sflag:s4] =	ssyncset.done $0x0  }
.LBB2_1:
0x1e: {  	p0 =	sne.s32 s11, $0x1;
	s11 =	sadd.s32 $0xFFFFFFFF, s11;
	[sflag:s4] =	ssyncadd.s32 $0xFFFFC000  }
0x1f: {  	[tilespmem:s3], [sflag:$0x2] =	stream.linear.gather [hbm4b:s5+s3], $0x80, $0x38;
	[tilespmem:$0x4080] =	vst v63  }
0x20: {  	_ =	swait.ge [sflag:s4], $0x80  }
0x21: {  	[sflag:s4] =	ssyncset.done $0x0  }
0x22: {  	[sflag:s4] =	ssyncadd.s32 $0xFFFFFF80  }
0x23: {  	[tilespmem:s6], [sflag:$0x1] =	stream.indirect.gather [hbm4b:s1+s6], $0x80, s3, s6, $0xb8;
	[tilespmem:$0x4080] =	vst v63  }
0x24: {  	_ =	swait.ge [sflag:s7], $0x4000  }
0x25: {  	[sflag:s7] =	ssyncset.done $0x0  }
0x26: {  	[sflag:s7] =	ssyncadd.s32 $0xFFFFC000  }
0x27: {  	[hbm4b:s8+s3] =	stream.linear.scatter [tilespmem:s6], [sflag:$0x2], $0x4000, $0x38;
	[tilespmem:$0x4080] =	vst v63  }
0x28: {  	_ =	swait.ge [sflag:s4], $0x4000  }
0x29: {  	[sflag:s4] =	ssyncset.done $0x0  }
0x2a: {  	[sflag:s4] =	ssyncadd.s32 $0xFFFFC000  }
0x2b: {  	[tilespmem:s3], [sflag:$0x2] =	stream.linear.gather [hbm4b:s9+s3], $0x80, $0x38;
	[tilespmem:$0x4080] =	vst v63  }
0x2c: {  	_ =	swait.ge [sflag:s4], $0x80  }
0x2d: {  	[sflag:s4] =	ssyncset.done $0x0  }
0x2e: {  	[sflag:s4] =	ssyncadd.s32 $0xFFFFFF80  }
0x2f: {  	[tilespmem:s6], [sflag:$0x1] =	stream.indirect.gather [hbm4b:s1+s6], $0x80, s3, s6, $0xb8;
	[tilespmem:$0x4080] =	vst v63  }
0x30: {  	_ =	swait.ge [sflag:s7], $0x4000  }
.Ltmp1:
0x31: {  	[sflag:s7] =	ssyncset.done $0x0;
	(pc) =	sbr.rel @p0 .LBB2_1-.Ltmp1, $4  }
0x32: {  	[sflag:s7] =	ssyncadd.s32 $0xFFFFC000  }
0x33: {  	[hbm4b:s10+s3] =	stream.linear.scatter [tilespmem:s6], [sflag:$0x2], $0x4000, $0x38;
	[tilespmem:$0x4080] =	vst v63  }
0x34: {  	_ =	swait.ge [sflag:s4], $0x4000  }
0x35: {  	[sflag:s4] =	ssyncset.done $0x0  }
.LBB2_2:
0x36: {  	[sflag:s4] =	ssyncadd.s32 $0xFFFFC000  }
0x37: {  	_ =	sfence.sel $0x180000  }
0x38: {  	[bflag:$0x0] =	sbarrier.arrive $0xFFFF  }
0x39: {  	p0 =	sne.s32 s0, $0x0;
	_ =	strace $0x90000047  }
0x3a: {  	s0 =	sadd.s32 @!p0 $0x100000, s2;
	[bflag:$0x2] =	sbarrier.arrive $0xFFFF  }
0x3b: {  	[sflag:s0] =	ssyncadd.tile.s32 @!p0 $0x1;
	_ =	shalt  }
.Lfunc_end2:
_tile_overlayer_lowered:
.L_overlay_start_2:
0x3c: {  	(tag) =	ssettag $0x2  }
0x3d: {  	s0 =	rddreg [dreg:$0x0];
	s2 =	stileid.u32  }
0x3e: {  	s1 =	rddreg [dreg:$0x1];
	p0 =	sne.s32 s2, $0x0  }
0x3f: {  	s3 =	rddreg [dreg:$0x2];
	[bflag:$0x3] =	sbarrier.arrive $0xFFFF;
	s2 =	simm.s32 @!p0 $0x1C02  }
0x40: {  	[timem:s3], [sflag:s2] =	dma.local @!p0 [hbm:s0], s1  }
0x41: {  	s0 =	simm.s32 @!p0 $0x2  }
0x42: {  	_ =	swait.ge @!p0 [sflag:s0], s1  }
0x43: {  	s1 =	ssub.s32 @!p0 $0x0, s1;
	[sflag:s0] =	ssyncset.done @!p0 $0x0  }
0x44: {  	[sflag:s0] =	ssyncadd.s32 @!p0 s1  }
0x45: {  	[bflag:$0x3] =	sbarrier.arrive $0xFFFF  }
0x46: {  	_ =	shalt  }

</sc_bundles>
